<compile_context>
chip_gen: v7x
topology: tpu7x:2x2x1
jax: 0.10.2.dev20260603
libtpu: 0.0.44.dev20260713+nightly
codegen_flags: <defaults>
</compile_context>

<pallas_src>
import functools

import jax
import jax.numpy as jnp
from jax import lax
from jax.experimental import pallas as pl
from jax.experimental.pallas import tpu as pltpu
from jax.experimental.pallas import tpu_sc as plsc

_D = 64
_LANES = 128
_ROWS_PER_CHUNK = 8
_CHUNK = _ROWS_PER_CHUNK * _LANES

_B = 4096
_S = 200
_N_IDX = _B * _S
_N_ROWS = _N_IDX // _LANES
_NC = 2
_NS = 16
_NW = _NC * _NS
_ROWS_PER_W = _N_ROWS // _NW
_N_CHUNKS = _ROWS_PER_W // _ROWS_PER_CHUNK

_mesh = plsc.VectorSubcoreMesh(core_axis_name="c", subcore_axis_name="s")


@functools.partial(
    pl.kernel,
    mesh=_mesh,
    out_type=jax.ShapeDtypeStruct((_B, _S, _D), jnp.float32),
    scratch_types=[
        pltpu.VMEM((_ROWS_PER_CHUNK, _LANES), jnp.int32),
        pltpu.VMEM((_CHUNK, _D), jnp.float32),
        pltpu.SemaphoreType.DMA,
        pltpu.SemaphoreType.DMA,
    ],
    compiler_params=pltpu.CompilerParams(use_tc_tiling_on_sc=False),
)
def _sc_gather(idx_hbm, table_hbm, out_hbm, idx_v, rows_v, sem, sem_w):
    wid = lax.axis_index("s") * _NC + lax.axis_index("c")
    row0 = wid * _ROWS_PER_W

    def chunk_body(i, carry):
        r = row0 + i * _ROWS_PER_CHUNK
        pltpu.sync_copy(idx_hbm.at[pl.ds(r, _ROWS_PER_CHUNK)], idx_v)
        copies = [
            pltpu.async_copy(
                table_hbm.at[idx_v.at[j]],
                rows_v.at[pl.ds(j * _LANES, _LANES)],
                sem,
            )
            for j in range(_ROWS_PER_CHUNK)
        ]
        writes = []
        for j in range(_ROWS_PER_CHUNK):
            copies[j].wait()
            q = r + j
            a = q // 256
            t = (q // 8) % 32
            b = q % 8
            writes.append(
                pltpu.async_copy(
                    rows_v.at[pl.ds(j * _LANES, _LANES)],
                    out_hbm.at[pl.ds(t * _LANES, _LANES), 8 * a + b],
                    sem_w,
                )
            )
        for w in writes:
            w.wait()
        return carry

    lax.fori_loop(0, _N_CHUNKS, chunk_body, 0)


def kernel(sentence, elmo_tensor, word_embed):
    del elmo_tensor
    st = sentence.T
    idx = (
        st.reshape(_S // 8, 8, _B // _LANES, _LANES)
        .transpose(0, 2, 1, 3)
        .reshape(_N_ROWS, _LANES)
    )
    return _sc_gather(idx, word_embed)

# --- scband reference (transcript-rebuilt; emitter-appended) ---
"""Pipeline reference for scband-word-rep-9534827397200 (READ-ONLY COPY).

The authoritative reference and input builder live on the scoring server;
editing this copy changes nothing except your own understanding.
"""

import jax, jax.numpy as jnp
import numpy as np

VOCAB = 1000000
EMBED_DIM = 64
BATCH = 4096
SEQ = 200
ELMO_DIM = 128


def setup_inputs(seed: int = 0) -> dict:
    key = jax.random.key(seed)
    k1, k2, k3 = jax.random.split(key, 3)
    sentence = jax.random.randint(k1, (BATCH, SEQ), 0, VOCAB, dtype=jnp.int64 if jax.config.jax_enable_x64 else jnp.int32)
    elmo_tensor = jax.random.normal(k2, (BATCH, ELMO_DIM), dtype=jnp.float32)
    word_embed = jax.random.normal(k3, (VOCAB, EMBED_DIM), dtype=jnp.float32) * 0.02
    return {"sentence": sentence, "elmo_tensor": elmo_tensor, "word_embed": word_embed}


def reference(sentence, elmo_tensor, word_embed):
    # WordRep.forward with args.use_elmo == 0: pure embedding lookup.
    # elmo_tensor is ignored on this code path (use_elmo == 0).
    words_embeds = jnp.take(word_embed, sentence, axis=0)
    return words_embeds

if __name__ == "__main__":
    import jax
    _d = setup_inputs()
    print(jax.jit(kernel)(*tuple(_d.values())))

</pallas_src>

<mosaic_0001>
#map = affine_map<(d0, d1) -> (0, 0)>
#map1 = affine_map<(d0, d1) -> (0, 0, 0)>
module attributes {stable_mosaic.version = 14 : i64} {
  func.func @_sc_gather(%arg0: i32, %arg1: i32, %arg2: memref<6400x128xi32, #tpu.memory_space<hbm>>, %arg3: memref<1000000x64xf32, #tpu.memory_space<hbm>>, %arg4: memref<4096x200x64xf32, #tpu.memory_space<hbm>>, %arg5: memref<8x128xi32, #tpu.memory_space<vmem>>, %arg6: memref<1024x64xf32, #tpu.memory_space<vmem>>, %arg7: memref<!tpu.dma_semaphore, #tpu.memory_space<semaphore_mem>>, %arg8: memref<!tpu.dma_semaphore, #tpu.memory_space<semaphore_mem>>) attributes {dimension_semantics = [#tpu.dimension_semantics<core_parallel>, #tpu.dimension_semantics<subcore_parallel>], iteration_bounds = array<i64: 2, 16>, scalar_prefetch = 0 : i64, scratch_operands = 4 : i64, tpu.core_type = #tpu.core_type<sc_vector_subcore>, window_params = [{transform_indices = #map}, {transform_indices = #map}, {transform_indices = #map1}]} {
    %mul3A = arith.constant 2 : i32
    %mul3A_0 = arith.muli %arg1, %mul3A : i32
    %add3A = arith.addi %mul3A_0, %arg0 : i32
    %mul3A_1 = arith.constant 200 : i32
    %mul3A_2 = arith.muli %add3A, %mul3A_1 : i32
    %scan3A = arith.constant 0 : i32
    %scan3A_3 = arith.constant 0 : i32
    %scan3A_4 = arith.constant 25 : i32
    %scan3A_5 = arith.addi %scan3A_3, %scan3A_4 : i32
    %scan3A_6 = arith.constant 1 : i32
    scf.for %scan3A_8 = %scan3A_3 to %scan3A_5 step %scan3A_6  : i32 {
      %mul3A_9 = arith.constant 8 : i32
      %mul3A_10 = arith.muli %scan3A_8, %mul3A_9 : i32
      %add3A_11 = arith.addi %mul3A_2, %mul3A_10 : i32
      "tpu.region"() ({
        %run_scoped3A = tpu.sem_alloc : memref<!tpu.dma_semaphore, #tpu.memory_space<semaphore_mem>>
        %dma_start3A_1048 = arith.constant 0 : i32
        %dma_start3A_1049 = tpu.memref_slice %arg2[%add3A_11, %dma_start3A_1048] : memref<6400x128xi32, #tpu.memory_space<hbm>> -> memref<8x128xi32, #tpu.memory_space<hbm>>
        %dma_start3A_1050 = arith.constant 0 : i32
        %dma_start3A_1051 = tpu.memref_slice %arg2[%add3A_11, %dma_start3A_1050] : memref<6400x128xi32, #tpu.memory_space<hbm>> -> memref<8x128xi32, #tpu.memory_space<hbm>>
        tpu.enqueue_dma source(%dma_start3A_1051 : memref<8x128xi32, #tpu.memory_space<hbm>>) target(%arg5 : memref<8x128xi32, #tpu.memory_space<vmem>>) target_semaphore(%run_scoped3A : memref<!tpu.dma_semaphore, #tpu.memory_space<semaphore_mem>>)
        %dma_wait3A_1052 = arith.constant 0 : i32
        %dma_wait3A_1053 = tpu.memref_slice %arg2[%add3A_11, %dma_wait3A_1052] : memref<6400x128xi32, #tpu.memory_space<hbm>> -> memref<8x128xi32, #tpu.memory_space<hbm>>
        %dma_wait3A_1054 = arith.constant 0 : i32
        %dma_wait3A_1055 = tpu.memref_slice %arg2[%add3A_11, %dma_wait3A_1054] : memref<6400x128xi32, #tpu.memory_space<hbm>> -> memref<8x128xi32, #tpu.memory_space<hbm>>
        tpu.wait_dma2 semaphore(%run_scoped3A : memref<!tpu.dma_semaphore, #tpu.memory_space<semaphore_mem>>) src(%dma_wait3A_1055 : memref<8x128xi32, #tpu.memory_space<hbm>>) dst(%arg5 : memref<8x128xi32, #tpu.memory_space<vmem>>)
        tpu.yield
      }) : () -> ()
      %dma_start3A = arith.constant 0 : i32
      %dma_start3A_12 = arith.constant 0 : i32
      %dma_start3A_13 = arith.constant 0 : i32
      %dma_start3A_14 = tpu.memref_slice %arg6[%dma_start3A_12, %dma_start3A_13] : memref<1024x64xf32, #tpu.memory_space<vmem>> -> memref<128x64xf32, #tpu.memory_space<vmem>>
      %dma_start3A_15 = arith.constant 0 : i32
      %dma_start3A_16 = tpu.memref_slice %arg5[%dma_start3A, %dma_start3A_15] : memref<8x128xi32, #tpu.memory_space<vmem>> -> memref<1x128xi32, #tpu.memory_space<vmem>>
      %dma_start3A_17 = tpu.memref_squeeze %dma_start3A_16 : memref<1x128xi32, #tpu.memory_space<vmem>> -> memref<128xi32, #tpu.memory_space<vmem>>
      %dma_start3A_18 = arith.constant 0 : i32
      %dma_start3A_19 = arith.constant 0 : i32
      %dma_start3A_20 = tpu.memref_slice %arg3[%dma_start3A_18, %dma_start3A_19] : memref<1000000x64xf32, #tpu.memory_space<hbm>> -> memref<1000000x64xf32, #tpu.memory_space<hbm>>
      tpu.enqueue_indirect_dma source(%dma_start3A_20 : memref<1000000x64xf32, #tpu.memory_space<hbm>>) target(%dma_start3A_14 : memref<128x64xf32, #tpu.memory_space<vmem>>) offsets(%dma_start3A_17 : memref<128xi32, #tpu.memory_space<vmem>>) semaphore(%arg7 : memref<!tpu.dma_semaphore, #tpu.memory_space<semaphore_mem>>)
      %dma_start3A_21 = arith.constant 1 : i32
      %dma_start3A_22 = arith.constant 128 : i32
      %dma_start3A_23 = arith.constant 0 : i32
      %dma_start3A_24 = tpu.memref_slice %arg6[%dma_start3A_22, %dma_start3A_23] : memref<1024x64xf32, #tpu.memory_space<vmem>> -> memref<128x64xf32, #tpu.memory_space<vmem>>
      %dma_start3A_25 = arith.constant 0 : i32
      %dma_start3A_26 = tpu.memref_slice %arg5[%dma_start3A_21, %dma_start3A_25] : memref<8x128xi32, #tpu.memory_space<vmem>> -> memref<1x128xi32, #tpu.memory_space<vmem>>
      %dma_start3A_27 = tpu.memref_squeeze %dma_start3A_26 : memref<1x128xi32, #tpu.memory_space<vmem>> -> memref<128xi32, #tpu.memory_space<vmem>>
      %dma_start3A_28 = arith.constant 0 : i32
      %dma_start3A_29 = arith.constant 0 : i32
      %dma_start3A_30 = tpu.memref_slice %arg3[%dma_start3A_28, %dma_start3A_29] : memref<1000000x64xf32, #tpu.memory_space<hbm>> -> memref<1000000x64xf32, #tpu.memory_space<hbm>>
      tpu.enqueue_indirect_dma source(%dma_start3A_30 : memref<1000000x64xf32, #tpu.memory_space<hbm>>) target(%dma_start3A_24 : memref<128x64xf32, #tpu.memory_space<vmem>>) offsets(%dma_start3A_27 : memref<128xi32, #tpu.memory_space<vmem>>) semaphore(%arg7 : memref<!tpu.dma_semaphore, #tpu.memory_space<semaphore_mem>>)
      %dma_start3A_31 = arith.constant 2 : i32
      %dma_start3A_32 = arith.constant 256 : i32
      %dma_start3A_33 = arith.constant 0 : i32
      %dma_start3A_34 = tpu.memref_slice %arg6[%dma_start3A_32, %dma_start3A_33] : memref<1024x64xf32, #tpu.memory_space<vmem>> -> memref<128x64xf32, #tpu.memory_space<vmem>>
      %dma_start3A_35 = arith.constant 0 : i32
      %dma_start3A_36 = tpu.memref_slice %arg5[%dma_start3A_31, %dma_start3A_35] : memref<8x128xi32, #tpu.memory_space<vmem>> -> memref<1x128xi32, #tpu.memory_space<vmem>>
      %dma_start3A_37 = tpu.memref_squeeze %dma_start3A_36 : memref<1x128xi32, #tpu.memory_space<vmem>> -> memref<128xi32, #tpu.memory_space<vmem>>
      %dma_start3A_38 = arith.constant 0 : i32
      %dma_start3A_39 = arith.constant 0 : i32
      %dma_start3A_40 = tpu.memref_slice %arg3[%dma_start3A_38, %dma_start3A_39] : memref<1000000x64xf32, #tpu.memory_space<hbm>> -> memref<1000000x64xf32, #tpu.memory_space<hbm>>
      tpu.enqueue_indirect_dma source(%dma_start3A_40 : memref<1000000x64xf32, #tpu.memory_space<hbm>>) target(%dma_start3A_34 : memref<128x64xf32, #tpu.memory_space<vmem>>) offsets(%dma_start3A_37 : memref<128xi32, #tpu.memory_space<vmem>>) semaphore(%arg7 : memref<!tpu.dma_semaphore, #tpu.memory_space<semaphore_mem>>)
      %dma_start3A_41 = arith.constant 3 : i32
      %dma_start3A_42 = arith.constant 384 : i32
      %dma_start3A_43 = arith.constant 0 : i32
      %dma_start3A_44 = tpu.memref_slice %arg6[%dma_start3A_42, %dma_start3A_43] : memref<1024x64xf32, #tpu.memory_space<vmem>> -> memref<128x64xf32, #tpu.memory_space<vmem>>
      %dma_start3A_45 = arith.constant 0 : i32
      %dma_start3A_46 = tpu.memref_slice %arg5[%dma_start3A_41, %dma_start3A_45] : memref<8x128xi32, #tpu.memory_space<vmem>> -> memref<1x128xi32, #tpu.memory_space<vmem>>
      %dma_start3A_47 = tpu.memref_squeeze %dma_start3A_46 : memref<1x128xi32, #tpu.memory_space<vmem>> -> memref<128xi32, #tpu.memory_space<vmem>>
      %dma_start3A_48 = arith.constant 0 : i32
      %dma_start3A_49 = arith.constant 0 : i32
      %dma_start3A_50 = tpu.memref_slice %arg3[%dma_start3A_48, %dma_start3A_49] : memref<1000000x64xf32, #tpu.memory_space<hbm>> -> memref<1000000x64xf32, #tpu.memory_space<hbm>>
      tpu.enqueue_indirect_dma source(%dma_start3A_50 : memref<1000000x64xf32, #tpu.memory_space<hbm>>) target(%dma_start3A_44 : memref<128x64xf32, #tpu.memory_space<vmem>>) offsets(%dma_start3A_47 : memref<128xi32, #tpu.memory_space<vmem>>) semaphore(%arg7 : memref<!tpu.dma_semaphore, #tpu.memory_space<semaphore_mem>>)
      %dma_start3A_51 = arith.constant 4 : i32
      %dma_start3A_52 = arith.constant 512 : i32
      %dma_start3A_53 = arith.constant 0 : i32
      %dma_start3A_54 = tpu.memref_slice %arg6[%dma_start3A_52, %dma_start3A_53] : memref<1024x64xf32, #tpu.memory_space<vmem>> -> memref<128x64xf32, #tpu.memory_space<vmem>>
      %dma_start3A_55 = arith.constant 0 : i32
      %dma_start3A_56 = tpu.memref_slice %arg5[%dma_start3A_51, %dma_start3A_55] : memref<8x128xi32, #tpu.memory_space<vmem>> -> memref<1x128xi32, #tpu.memory_space<vmem>>
      %dma_start3A_57 = tpu.memref_squeeze %dma_start3A_56 : memref<1x128xi32, #tpu.memory_space<vmem>> -> memref<128xi32, #tpu.memory_space<vmem>>
      %dma_start3A_58 = arith.constant 0 : i32
      %dma_start3A_59 = arith.constant 0 : i32
      %dma_start3A_60 = tpu.memref_slice %arg3[%dma_start3A_58, %dma_start3A_59] : memref<1000000x64xf32, #tpu.memory_space<hbm>> -> memref<1000000x64xf32, #tpu.memory_space<hbm>>
      tpu.enqueue_indirect_dma source(%dma_start3A_60 : memref<1000000x64xf32, #tpu.memory_space<hbm>>) target(%dma_start3A_54 : memref<128x64xf32, #tpu.memory_space<vmem>>) offsets(%dma_start3A_57 : memref<128xi32, #tpu.memory_space<vmem>>) semaphore(%arg7 : memref<!tpu.dma_semaphore, #tpu.memory_space<semaphore_mem>>)
      %dma_start3A_61 = arith.constant 5 : i32
      %dma_start3A_62 = arith.constant 640 : i32
      %dma_start3A_63 = arith.constant 0 : i32
      %dma_start3A_64 = tpu.memref_slice %arg6[%dma_start3A_62, %dma_start3A_63] : memref<1024x64xf32, #tpu.memory_space<vmem>> -> memref<128x64xf32, #tpu.memory_space<vmem>>
      %dma_start3A_65 = arith.constant 0 : i32
      %dma_start3A_66 = tpu.memref_slice %arg5[%dma_start3A_61, %dma_start3A_65] : memref<8x128xi32, #tpu.memory_space<vmem>> -> memref<1x128xi32, #tpu.memory_space<vmem>>
      %dma_start3A_67 = tpu.memref_squeeze %dma_start3A_66 : memref<1x128xi32, #tpu.memory_space<vmem>> -> memref<128xi32, #tpu.memory_space<vmem>>
      %dma_start3A_68 = arith.constant 0 : i32
      %dma_start3A_69 = arith.constant 0 : i32
      %dma_start3A_70 = tpu.memref_slice %arg3[%dma_start3A_68, %dma_start3A_69] : memref<1000000x64xf32, #tpu.memory_space<hbm>> -> memref<1000000x64xf32, #tpu.memory_space<hbm>>
      tpu.enqueue_indirect_dma source(%dma_start3A_70 : memref<1000000x64xf32, #tpu.memory_space<hbm>>) target(%dma_start3A_64 : memref<128x64xf32, #tpu.memory_space<vmem>>) offsets(%dma_start3A_67 : memref<128xi32, #tpu.memory_space<vmem>>) semaphore(%arg7 : memref<!tpu.dma_semaphore, #tpu.memory_space<semaphore_mem>>)
      %dma_start3A_71 = arith.constant 6 : i32
      %dma_start3A_72 = arith.constant 768 : i32
      %dma_start3A_73 = arith.constant 0 : i32
      %dma_start3A_74 = tpu.memref_slice %arg6[%dma_start3A_72, %dma_start3A_73] : memref<1024x64xf32, #tpu.memory_space<vmem>> -> memref<128x64xf32, #tpu.memory_space<vmem>>
      %dma_start3A_75 = arith.constant 0 : i32
      %dma_start3A_76 = tpu.memref_slice %arg5[%dma_start3A_71, %dma_start3A_75] : memref<8x128xi32, #tpu.memory_space<vmem>> -> memref<1x128xi32, #tpu.memory_space<vmem>>
      %dma_start3A_77 = tpu.memref_squeeze %dma_start3A_76 : memref<1x128xi32, #tpu.memory_space<vmem>> -> memref<128xi32, #tpu.memory_space<vmem>>
      %dma_start3A_78 = arith.constant 0 : i32
      %dma_start3A_79 = arith.constant 0 : i32
      %dma_start3A_80 = tpu.memref_slice %arg3[%dma_start3A_78, %dma_start3A_79] : memref<1000000x64xf32, #tpu.memory_space<hbm>> -> memref<1000000x64xf32, #tpu.memory_space<hbm>>
      tpu.enqueue_indirect_dma source(%dma_start3A_80 : memref<1000000x64xf32, #tpu.memory_space<hbm>>) target(%dma_start3A_74 : memref<128x64xf32, #tpu.memory_space<vmem>>) offsets(%dma_start3A_77 : memref<128xi32, #tpu.memory_space<vmem>>) semaphore(%arg7 : memref<!tpu.dma_semaphore, #tpu.memory_space<semaphore_mem>>)
      %dma_start3A_81 = arith.constant 7 : i32
      %dma_start3A_82 = arith.constant 896 : i32
      %dma_start3A_83 = arith.constant 0 : i32
      %dma_start3A_84 = tpu.memref_slice %arg6[%dma_start3A_82, %dma_start3A_83] : memref<1024x64xf32, #tpu.memory_space<vmem>> -> memref<128x64xf32, #tpu.memory_space<vmem>>
      %dma_start3A_85 = arith.constant 0 : i32
      %dma_start3A_86 = tpu.memref_slice %arg5[%dma_start3A_81, %dma_start3A_85] : memref<8x128xi32, #tpu.memory_space<vmem>> -> memref<1x128xi32, #tpu.memory_space<vmem>>
      %dma_start3A_87 = tpu.memref_squeeze %dma_start3A_86 : memref<1x128xi32, #tpu.memory_space<vmem>> -> memref<128xi32, #tpu.memory_space<vmem>>
      %dma_start3A_88 = arith.constant 0 : i32
      %dma_start3A_89 = arith.constant 0 : i32
      %dma_start3A_90 = tpu.memref_slice %arg3[%dma_start3A_88, %dma_start3A_89] : memref<1000000x64xf32, #tpu.memory_space<hbm>> -> memref<1000000x64xf32, #tpu.memory_space<hbm>>
      tpu.enqueue_indirect_dma source(%dma_start3A_90 : memref<1000000x64xf32, #tpu.memory_space<hbm>>) target(%dma_start3A_84 : memref<128x64xf32, #tpu.memory_space<vmem>>) offsets(%dma_start3A_87 : memref<128xi32, #tpu.memory_space<vmem>>) semaphore(%arg7 : memref<!tpu.dma_semaphore, #tpu.memory_space<semaphore_mem>>)
      %dma_wait3A = arith.constant 0 : i32
      %dma_wait3A_91 = arith.constant 0 : i32
      %dma_wait3A_92 = arith.constant 0 : i32
      %dma_wait3A_93 = tpu.memref_slice %arg6[%dma_wait3A_91, %dma_wait3A_92] : memref<1024x64xf32, #tpu.memory_space<vmem>> -> memref<128x64xf32, #tpu.memory_space<vmem>>
      %dma_wait3A_94 = arith.constant 0 : i32
      %dma_wait3A_95 = tpu.memref_slice %arg5[%dma_wait3A, %dma_wait3A_94] : memref<8x128xi32, #tpu.memory_space<vmem>> -> memref<1x128xi32, #tpu.memory_space<vmem>>
      %dma_wait3A_96 = tpu.memref_squeeze %dma_wait3A_95 : memref<1x128xi32, #tpu.memory_space<vmem>> -> memref<128xi32, #tpu.memory_space<vmem>>
      %dma_wait3A_97 = arith.constant 0 : i32
      %dma_wait3A_98 = arith.constant 0 : i32
      %dma_wait3A_99 = tpu.memref_slice %arg3[%dma_wait3A_97, %dma_wait3A_98] : memref<1000000x64xf32, #tpu.memory_space<hbm>> -> memref<1000000x64xf32, #tpu.memory_space<hbm>>
      tpu.wait_indirect_dma semaphore(%arg7 : memref<!tpu.dma_semaphore, #tpu.memory_space<semaphore_mem>>) src(%dma_wait3A_99 : memref<1000000x64xf32, #tpu.memory_space<hbm>>) dst(%dma_wait3A_93 : memref<128x64xf32, #tpu.memory_space<vmem>>)
      %add3A_100 = arith.constant 0 : i32
      %add3A_101 = arith.addi %add3A_11, %add3A_100 : i32
      %jit3A = arith.constant 256 : i32
      %div3A = arith.divsi %add3A_101, %jit3A : i32
      %sign3A = arith.constant 0 : i32
      %sign3A_102 = arith.cmpi sgt, %add3A_101, %sign3A : i32
      %sign3A_103 = arith.extui %sign3A_102 : i1 to i32
      %sign3A_104 = arith.constant 0 : i32
      %sign3A_105 = arith.cmpi slt, %add3A_101, %sign3A_104 : i32
      %sign3A_106 = arith.extui %sign3A_105 : i1 to i32
      %sign3A_107 = arith.subi %sign3A_103, %sign3A_106 : i32
      %sign3A_108 = arith.constant 0 : i32
      %sign3A_109 = arith.cmpi sgt, %jit3A, %sign3A_108 : i32
      %sign3A_110 = arith.extui %sign3A_109 : i1 to i32
      %sign3A_111 = arith.constant 0 : i32
      %sign3A_112 = arith.cmpi slt, %jit3A, %sign3A_111 : i32
      %sign3A_113 = arith.extui %sign3A_112 : i1 to i32
      %sign3A_114 = arith.subi %sign3A_110, %sign3A_113 : i32
      %ne3A = arith.cmpi ne, %sign3A_107, %sign3A_114 : i32
      %rem3A = arith.remsi %add3A_101, %jit3A : i32
      %ne3A_115 = arith.constant 0 : i32
      %ne3A_116 = arith.cmpi ne, %rem3A, %ne3A_115 : i32
      %and3A = arith.andi %ne3A, %ne3A_116 : i1
      %sub3A = arith.constant 1 : i32
      %sub3A_117 = arith.subi %div3A, %sub3A : i32
      %select_n3A = arith.select %and3A, %sub3A_117, %div3A : i32
      %jit3A_118 = arith.constant 8 : i32
      %div3A_119 = arith.divsi %add3A_101, %jit3A_118 : i32
      %sign3A_120 = arith.constant 0 : i32
      %sign3A_121 = arith.cmpi sgt, %add3A_101, %sign3A_120 : i32
      %sign3A_122 = arith.extui %sign3A_121 : i1 to i32
      %sign3A_123 = arith.constant 0 : i32
      %sign3A_124 = arith.cmpi slt, %add3A_101, %sign3A_123 : i32
      %sign3A_125 = arith.extui %sign3A_124 : i1 to i32
      %sign3A_126 = arith.subi %sign3A_122, %sign3A_125 : i32
      %sign3A_127 = arith.constant 0 : i32
      %sign3A_128 = arith.cmpi sgt, %jit3A_118, %sign3A_127 : i32
      %sign3A_129 = arith.extui %sign3A_128 : i1 to i32
      %sign3A_130 = arith.constant 0 : i32
      %sign3A_131 = arith.cmpi slt, %jit3A_118, %sign3A_130 : i32
      %sign3A_132 = arith.extui %sign3A_131 : i1 to i32
      %sign3A_133 = arith.subi %sign3A_129, %sign3A_132 : i32
      %ne3A_134 = arith.cmpi ne, %sign3A_126, %sign3A_133 : i32
      %rem3A_135 = arith.remsi %add3A_101, %jit3A_118 : i32
      %ne3A_136 = arith.constant 0 : i32
      %ne3A_137 = arith.cmpi ne, %rem3A_135, %ne3A_136 : i32
      %and3A_138 = arith.andi %ne3A_134, %ne3A_137 : i1
      %sub3A_139 = arith.constant 1 : i32
      %sub3A_140 = arith.subi %div3A_119, %sub3A_139 : i32
      %select_n3A_141 = arith.select %and3A_138, %sub3A_140, %div3A_119 : i32
      %jit3A_142 = arith.constant 32 : i32
      %eq3A = arith.constant 0 : i32
      %eq3A_143 = arith.cmpi eq, %jit3A_142, %eq3A : i32
      %jit3A_144 = arith.constant 1 : i32
      %select_n3A_145 = arith.select %eq3A_143, %jit3A_144, %jit3A_142 : i32
      %rem3A_146 = arith.remsi %select_n3A_141, %select_n3A_145 : i32
      %ne3A_147 = arith.constant 0 : i32
      %ne3A_148 = arith.cmpi ne, %rem3A_146, %ne3A_147 : i32
      %lt3A = arith.constant 0 : i32
      %lt3A_149 = arith.cmpi slt, %rem3A_146, %lt3A : i32
      %lt3A_150 = arith.constant 0 : i32
      %lt3A_151 = arith.cmpi slt, %select_n3A_145, %lt3A_150 : i32
      %ne3A_152 = arith.xori %lt3A_149, %lt3A_151 : i1
      %and3A_153 = arith.andi %ne3A_152, %ne3A_148 : i1
      %add3A_154 = arith.addi %rem3A_146, %select_n3A_145 : i32
      %select_n3A_155 = arith.select %and3A_153, %add3A_154, %rem3A_146 : i32
      %jit3A_156 = arith.constant 8 : i32
      %eq3A_157 = arith.constant 0 : i32
      %eq3A_158 = arith.cmpi eq, %jit3A_156, %eq3A_157 : i32
      %jit3A_159 = arith.constant 1 : i32
      %select_n3A_160 = arith.select %eq3A_158, %jit3A_159, %jit3A_156 : i32
      %rem3A_161 = arith.remsi %add3A_101, %select_n3A_160 : i32
      %ne3A_162 = arith.constant 0 : i32
      %ne3A_163 = arith.cmpi ne, %rem3A_161, %ne3A_162 : i32
      %lt3A_164 = arith.constant 0 : i32
      %lt3A_165 = arith.cmpi slt, %rem3A_161, %lt3A_164 : i32
      %lt3A_166 = arith.constant 0 : i32
      %lt3A_167 = arith.cmpi slt, %select_n3A_160, %lt3A_166 : i32
      %ne3A_168 = arith.xori %lt3A_165, %lt3A_167 : i1
      %and3A_169 = arith.andi %ne3A_168, %ne3A_163 : i1
      %add3A_170 = arith.addi %rem3A_161, %select_n3A_160 : i32
      %select_n3A_171 = arith.select %and3A_169, %add3A_170, %rem3A_161 : i32
      %mul3A_172 = arith.constant 128 : i32
      %mul3A_173 = arith.muli %select_n3A_155, %mul3A_172 : i32
      %mul3A_174 = arith.constant 8 : i32
      %mul3A_175 = arith.muli %mul3A_174, %select_n3A : i32
      %add3A_176 = arith.addi %mul3A_175, %select_n3A_171 : i32
      %dma_start3A_177 = arith.constant 0 : i32
      %dma_start3A_178 = arith.constant 0 : i32
      %dma_start3A_179 = tpu.memref_slice %arg6[%dma_start3A_177, %dma_start3A_178] : memref<1024x64xf32, #tpu.memory_space<vmem>> -> memref<128x64xf32, #tpu.memory_space<vmem>>
      %dma_start3A_180 = arith.constant 0 : i32
      %dma_start3A_181 = tpu.memref_slice %arg4[%mul3A_173, %add3A_176, %dma_start3A_180] : memref<4096x200x64xf32, #tpu.memory_space<hbm>> -> memref<128x1x64xf32, #tpu.memory_space<hbm>>
      %dma_start3A_182 = tpu.memref_squeeze %dma_start3A_181 : memref<128x1x64xf32, #tpu.memory_space<hbm>> -> memref<128x64xf32, #tpu.memory_space<hbm>>
      %dma_start3A_183 = arith.constant 0 : i32
      %dma_start3A_184 = tpu.memref_slice %arg4[%mul3A_173, %add3A_176, %dma_start3A_183] : memref<4096x200x64xf32, #tpu.memory_space<hbm>> -> memref<128x1x64xf32, #tpu.memory_space<hbm>>
      %dma_start3A_185 = tpu.memref_squeeze %dma_start3A_184 : memref<128x1x64xf32, #tpu.memory_space<hbm>> -> memref<128x64xf32, #tpu.memory_space<hbm>>
      %dma_start3A_186 = arith.constant 0 : i32
      %dma_start3A_187 = arith.constant 0 : i32
      %dma_start3A_188 = tpu.memref_slice %arg6[%dma_start3A_186, %dma_start3A_187] : memref<1024x64xf32, #tpu.memory_space<vmem>> -> memref<128x64xf32, #tpu.memory_space<vmem>>
      tpu.enqueue_dma source(%dma_start3A_188 : memref<128x64xf32, #tpu.memory_space<vmem>>) target(%dma_start3A_185 : memref<128x64xf32, #tpu.memory_space<hbm>>) target_semaphore(%arg8 : memref<!tpu.dma_semaphore, #tpu.memory_space<semaphore_mem>>)
      %dma_wait3A_189 = arith.constant 1 : i32
      %dma_wait3A_190 = arith.constant 128 : i32
      %dma_wait3A_191 = arith.constant 0 : i32
      %dma_wait3A_192 = tpu.memref_slice %arg6[%dma_wait3A_190, %dma_wait3A_191] : memref<1024x64xf32, #tpu.memory_space<vmem>> -> memref<128x64xf32, #tpu.memory_space<vmem>>
      %dma_wait3A_193 = arith.constant 0 : i32
      %dma_wait3A_194 = tpu.memref_slice %arg5[%dma_wait3A_189, %dma_wait3A_193] : memref<8x128xi32, #tpu.memory_space<vmem>> -> memref<1x128xi32, #tpu.memory_space<vmem>>
      %dma_wait3A_195 = tpu.memref_squeeze %dma_wait3A_194 : memref<1x128xi32, #tpu.memory_space<vmem>> -> memref<128xi32, #tpu.memory_space<vmem>>
      %dma_wait3A_196 = arith.constant 0 : i32
      %dma_wait3A_197 = arith.constant 0 : i32
      %dma_wait3A_198 = tpu.memref_slice %arg3[%dma_wait3A_196, %dma_wait3A_197] : memref<1000000x64xf32, #tpu.memory_space<hbm>> -> memref<1000000x64xf32, #tpu.memory_space<hbm>>
      tpu.wait_indirect_dma semaphore(%arg7 : memref<!tpu.dma_semaphore, #tpu.memory_space<semaphore_mem>>) src(%dma_wait3A_198 : memref<1000000x64xf32, #tpu.memory_space<hbm>>) dst(%dma_wait3A_192 : memref<128x64xf32, #tpu.memory_space<vmem>>)
      %add3A_199 = arith.constant 1 : i32
      %add3A_200 = arith.addi %add3A_11, %add3A_199 : i32
      %jit3A_201 = arith.constant 256 : i32
      %div3A_202 = arith.divsi %add3A_200, %jit3A_201 : i32
      %sign3A_203 = arith.constant 0 : i32
      %sign3A_204 = arith.cmpi sgt, %add3A_200, %sign3A_203 : i32
      %sign3A_205 = arith.extui %sign3A_204 : i1 to i32
      %sign3A_206 = arith.constant 0 : i32
      %sign3A_207 = arith.cmpi slt, %add3A_200, %sign3A_206 : i32
      %sign3A_208 = arith.extui %sign3A_207 : i1 to i32
      %sign3A_209 = arith.subi %sign3A_205, %sign3A_208 : i32
      %sign3A_210 = arith.constant 0 : i32
      %sign3A_211 = arith.cmpi sgt, %jit3A_201, %sign3A_210 : i32
      %sign3A_212 = arith.extui %sign3A_211 : i1 to i32
      %sign3A_213 = arith.constant 0 : i32
      %sign3A_214 = arith.cmpi slt, %jit3A_201, %sign3A_213 : i32
      %sign3A_215 = arith.extui %sign3A_214 : i1 to i32
      %sign3A_216 = arith.subi %sign3A_212, %sign3A_215 : i32
      %ne3A_217 = arith.cmpi ne, %sign3A_209, %sign3A_216 : i32
      %rem3A_218 = arith.remsi %add3A_200, %jit3A_201 : i32
      %ne3A_219 = arith.constant 0 : i32
      %ne3A_220 = arith.cmpi ne, %rem3A_218, %ne3A_219 : i32
      %and3A_221 = arith.andi %ne3A_217, %ne3A_220 : i1
      %sub3A_222 = arith.constant 1 : i32
      %sub3A_223 = arith.subi %div3A_202, %sub3A_222 : i32
      %select_n3A_224 = arith.select %and3A_221, %sub3A_223, %div3A_202 : i32
      %jit3A_225 = arith.constant 8 : i32
      %div3A_226 = arith.divsi %add3A_200, %jit3A_225 : i32
      %sign3A_227 = arith.constant 0 : i32
      %sign3A_228 = arith.cmpi sgt, %add3A_200, %sign3A_227 : i32
      %sign3A_229 = arith.extui %sign3A_228 : i1 to i32
      %sign3A_230 = arith.constant 0 : i32
      %sign3A_231 = arith.cmpi slt, %add3A_200, %sign3A_230 : i32
      %sign3A_232 = arith.extui %sign3A_231 : i1 to i32
      %sign3A_233 = arith.subi %sign3A_229, %sign3A_232 : i32
      %sign3A_234 = arith.constant 0 : i32
      %sign3A_235 = arith.cmpi sgt, %jit3A_225, %sign3A_234 : i32
      %sign3A_236 = arith.extui %sign3A_235 : i1 to i32
      %sign3A_237 = arith.constant 0 : i32
      %sign3A_238 = arith.cmpi slt, %jit3A_225, %sign3A_237 : i32
      %sign3A_239 = arith.extui %sign3A_238 : i1 to i32
      %sign3A_240 = arith.subi %sign3A_236, %sign3A_239 : i32
      %ne3A_241 = arith.cmpi ne, %sign3A_233, %sign3A_240 : i32
      %rem3A_242 = arith.remsi %add3A_200, %jit3A_225 : i32
      %ne3A_243 = arith.constant 0 : i32
      %ne3A_244 = arith.cmpi ne, %rem3A_242, %ne3A_243 : i32
      %and3A_245 = arith.andi %ne3A_241, %ne3A_244 : i1
      %sub3A_246 = arith.constant 1 : i32
      %sub3A_247 = arith.subi %div3A_226, %sub3A_246 : i32
      %select_n3A_248 = arith.select %and3A_245, %sub3A_247, %div3A_226 : i32
      %jit3A_249 = arith.constant 32 : i32
      %eq3A_250 = arith.constant 0 : i32
      %eq3A_251 = arith.cmpi eq, %jit3A_249, %eq3A_250 : i32
      %jit3A_252 = arith.constant 1 : i32
      %select_n3A_253 = arith.select %eq3A_251, %jit3A_252, %jit3A_249 : i32
      %rem3A_254 = arith.remsi %select_n3A_248, %select_n3A_253 : i32
      %ne3A_255 = arith.constant 0 : i32
      %ne3A_256 = arith.cmpi ne, %rem3A_254, %ne3A_255 : i32
      %lt3A_257 = arith.constant 0 : i32
      %lt3A_258 = arith.cmpi slt, %rem3A_254, %lt3A_257 : i32
      %lt3A_259 = arith.constant 0 : i32
      %lt3A_260 = arith.cmpi slt, %select_n3A_253, %lt3A_259 : i32
      %ne3A_261 = arith.xori %lt3A_258, %lt3A_260 : i1
      %and3A_262 = arith.andi %ne3A_261, %ne3A_256 : i1
      %add3A_263 = arith.addi %rem3A_254, %select_n3A_253 : i32
      %select_n3A_264 = arith.select %and3A_262, %add3A_263, %rem3A_254 : i32
      %jit3A_265 = arith.constant 8 : i32
      %eq3A_266 = arith.constant 0 : i32
      %eq3A_267 = arith.cmpi eq, %jit3A_265, %eq3A_266 : i32
      %jit3A_268 = arith.constant 1 : i32
      %select_n3A_269 = arith.select %eq3A_267, %jit3A_268, %jit3A_265 : i32
      %rem3A_270 = arith.remsi %add3A_200, %select_n3A_269 : i32
      %ne3A_271 = arith.constant 0 : i32
      %ne3A_272 = arith.cmpi ne, %rem3A_270, %ne3A_271 : i32
      %lt3A_273 = arith.constant 0 : i32
      %lt3A_274 = arith.cmpi slt, %rem3A_270, %lt3A_273 : i32
      %lt3A_275 = arith.constant 0 : i32
      %lt3A_276 = arith.cmpi slt, %select_n3A_269, %lt3A_275 : i32
      %ne3A_277 = arith.xori %lt3A_274, %lt3A_276 : i1
      %and3A_278 = arith.andi %ne3A_277, %ne3A_272 : i1
      %add3A_279 = arith.addi %rem3A_270, %select_n3A_269 : i32
      %select_n3A_280 = arith.select %and3A_278, %add3A_279, %rem3A_270 : i32
      %mul3A_281 = arith.constant 128 : i32
      %mul3A_282 = arith.muli %select_n3A_264, %mul3A_281 : i32
      %mul3A_283 = arith.constant 8 : i32
      %mul3A_284 = arith.muli %mul3A_283, %select_n3A_224 : i32
      %add3A_285 = arith.addi %mul3A_284, %select_n3A_280 : i32
      %dma_start3A_286 = arith.constant 128 : i32
      %dma_start3A_287 = arith.constant 0 : i32
      %dma_start3A_288 = tpu.memref_slice %arg6[%dma_start3A_286, %dma_start3A_287] : memref<1024x64xf32, #tpu.memory_space<vmem>> -> memref<128x64xf32, #tpu.memory_space<vmem>>
      %dma_start3A_289 = arith.constant 0 : i32
      %dma_start3A_290 = tpu.memref_slice %arg4[%mul3A_282, %add3A_285, %dma_start3A_289] : memref<4096x200x64xf32, #tpu.memory_space<hbm>> -> memref<128x1x64xf32, #tpu.memory_space<hbm>>
      %dma_start3A_291 = tpu.memref_squeeze %dma_start3A_290 : memref<128x1x64xf32, #tpu.memory_space<hbm>> -> memref<128x64xf32, #tpu.memory_space<hbm>>
      %dma_start3A_292 = arith.constant 0 : i32
      %dma_start3A_293 = tpu.memref_slice %arg4[%mul3A_282, %add3A_285, %dma_start3A_292] : memref<4096x200x64xf32, #tpu.memory_space<hbm>> -> memref<128x1x64xf32, #tpu.memory_space<hbm>>
      %dma_start3A_294 = tpu.memref_squeeze %dma_start3A_293 : memref<128x1x64xf32, #tpu.memory_space<hbm>> -> memref<128x64xf32, #tpu.memory_space<hbm>>
      %dma_start3A_295 = arith.constant 128 : i32
      %dma_start3A_296 = arith.constant 0 : i32
      %dma_start3A_297 = tpu.memref_slice %arg6[%dma_start3A_295, %dma_start3A_296] : memref<1024x64xf32, #tpu.memory_space<vmem>> -> memref<128x64xf32, #tpu.memory_space<vmem>>
      tpu.enqueue_dma source(%dma_start3A_297 : memref<128x64xf32, #tpu.memory_space<vmem>>) target(%dma_start3A_294 : memref<128x64xf32, #tpu.memory_space<hbm>>) target_semaphore(%arg8 : memref<!tpu.dma_semaphore, #tpu.memory_space<semaphore_mem>>)
      %dma_wait3A_298 = arith.constant 2 : i32
      %dma_wait3A_299 = arith.constant 256 : i32
      %dma_wait3A_300 = arith.constant 0 : i32
      %dma_wait3A_301 = tpu.memref_slice %arg6[%dma_wait3A_299, %dma_wait3A_300] : memref<1024x64xf32, #tpu.memory_space<vmem>> -> memref<128x64xf32, #tpu.memory_space<vmem>>
      %dma_wait3A_302 = arith.constant 0 : i32
      %dma_wait3A_303 = tpu.memref_slice %arg5[%dma_wait3A_298, %dma_wait3A_302] : memref<8x128xi32, #tpu.memory_space<vmem>> -> memref<1x128xi32, #tpu.memory_space<vmem>>
      %dma_wait3A_304 = tpu.memref_squeeze %dma_wait3A_303 : memref<1x128xi32, #tpu.memory_space<vmem>> -> memref<128xi32, #tpu.memory_space<vmem>>
      %dma_wait3A_305 = arith.constant 0 : i32
      %dma_wait3A_306 = arith.constant 0 : i32
      %dma_wait3A_307 = tpu.memref_slice %arg3[%dma_wait3A_305, %dma_wait3A_306] : memref<1000000x64xf32, #tpu.memory_space<hbm>> -> memref<1000000x64xf32, #tpu.memory_space<hbm>>
      tpu.wait_indirect_dma semaphore(%arg7 : memref<!tpu.dma_semaphore, #tpu.memory_space<semaphore_mem>>) src(%dma_wait3A_307 : memref<1000000x64xf32, #tpu.memory_space<hbm>>) dst(%dma_wait3A_301 : memref<128x64xf32, #tpu.memory_space<vmem>>)
      %add3A_308 = arith.constant 2 : i32
      %add3A_309 = arith.addi %add3A_11, %add3A_308 : i32
      %jit3A_310 = arith.constant 256 : i32
      %div3A_311 = arith.divsi %add3A_309, %jit3A_310 : i32
      %sign3A_312 = arith.constant 0 : i32
      %sign3A_313 = arith.cmpi sgt, %add3A_309, %sign3A_312 : i32
      %sign3A_314 = arith.extui %sign3A_313 : i1 to i32
      %sign3A_315 = arith.constant 0 : i32
      %sign3A_316 = arith.cmpi slt, %add3A_309, %sign3A_315 : i32
      %sign3A_317 = arith.extui %sign3A_316 : i1 to i32
      %sign3A_318 = arith.subi %sign3A_314, %sign3A_317 : i32
      %sign3A_319 = arith.constant 0 : i32
      %sign3A_320 = arith.cmpi sgt, %jit3A_310, %sign3A_319 : i32
      %sign3A_321 = arith.extui %sign3A_320 : i1 to i32
      %sign3A_322 = arith.constant 0 : i32
      %sign3A_323 = arith.cmpi slt, %jit3A_310, %sign3A_322 : i32
      %sign3A_324 = arith.extui %sign3A_323 : i1 to i32
      %sign3A_325 = arith.subi %sign3A_321, %sign3A_324 : i32
      %ne3A_326 = arith.cmpi ne, %sign3A_318, %sign3A_325 : i32
      %rem3A_327 = arith.remsi %add3A_309, %jit3A_310 : i32
      %ne3A_328 = arith.constant 0 : i32
      %ne3A_329 = arith.cmpi ne, %rem3A_327, %ne3A_328 : i32
      %and3A_330 = arith.andi %ne3A_326, %ne3A_329 : i1
      %sub3A_331 = arith.constant 1 : i32
      %sub3A_332 = arith.subi %div3A_311, %sub3A_331 : i32
      %select_n3A_333 = arith.select %and3A_330, %sub3A_332, %div3A_311 : i32
      %jit3A_334 = arith.constant 8 : i32
      %div3A_335 = arith.divsi %add3A_309, %jit3A_334 : i32
      %sign3A_336 = arith.constant 0 : i32
      %sign3A_337 = arith.cmpi sgt, %add3A_309, %sign3A_336 : i32
      %sign3A_338 = arith.extui %sign3A_337 : i1 to i32
      %sign3A_339 = arith.constant 0 : i32
      %sign3A_340 = arith.cmpi slt, %add3A_309, %sign3A_339 : i32
      %sign3A_341 = arith.extui %sign3A_340 : i1 to i32
      %sign3A_342 = arith.subi %sign3A_338, %sign3A_341 : i32
      %sign3A_343 = arith.constant 0 : i32
      %sign3A_344 = arith.cmpi sgt, %jit3A_334, %sign3A_343 : i32
      %sign3A_345 = arith.extui %sign3A_344 : i1 to i32
      %sign3A_346 = arith.constant 0 : i32
      %sign3A_347 = arith.cmpi slt, %jit3A_334, %sign3A_346 : i32
      %sign3A_348 = arith.extui %sign3A_347 : i1 to i32
      %sign3A_349 = arith.subi %sign3A_345, %sign3A_348 : i32
      %ne3A_350 = arith.cmpi ne, %sign3A_342, %sign3A_349 : i32
      %rem3A_351 = arith.remsi %add3A_309, %jit3A_334 : i32
      %ne3A_352 = arith.constant 0 : i32
      %ne3A_353 = arith.cmpi ne, %rem3A_351, %ne3A_352 : i32
      %and3A_354 = arith.andi %ne3A_350, %ne3A_353 : i1
      %sub3A_355 = arith.constant 1 : i32
      %sub3A_356 = arith.subi %div3A_335, %sub3A_355 : i32
      %select_n3A_357 = arith.select %and3A_354, %sub3A_356, %div3A_335 : i32
      %jit3A_358 = arith.constant 32 : i32
      %eq3A_359 = arith.constant 0 : i32
      %eq3A_360 = arith.cmpi eq, %jit3A_358, %eq3A_359 : i32
      %jit3A_361 = arith.constant 1 : i32
      %select_n3A_362 = arith.select %eq3A_360, %jit3A_361, %jit3A_358 : i32
      %rem3A_363 = arith.remsi %select_n3A_357, %select_n3A_362 : i32
      %ne3A_364 = arith.constant 0 : i32
      %ne3A_365 = arith.cmpi ne, %rem3A_363, %ne3A_364 : i32
      %lt3A_366 = arith.constant 0 : i32
      %lt3A_367 = arith.cmpi slt, %rem3A_363, %lt3A_366 : i32
      %lt3A_368 = arith.constant 0 : i32
      %lt3A_369 = arith.cmpi slt, %select_n3A_362, %lt3A_368 : i32
      %ne3A_370 = arith.xori %lt3A_367, %lt3A_369 : i1
      %and3A_371 = arith.andi %ne3A_370, %ne3A_365 : i1
      %add3A_372 = arith.addi %rem3A_363, %select_n3A_362 : i32
      %select_n3A_373 = arith.select %and3A_371, %add3A_372, %rem3A_363 : i32
      %jit3A_374 = arith.constant 8 : i32
      %eq3A_375 = arith.constant 0 : i32
      %eq3A_376 = arith.cmpi eq, %jit3A_374, %eq3A_375 : i32
      %jit3A_377 = arith.constant 1 : i32
      %select_n3A_378 = arith.select %eq3A_376, %jit3A_377, %jit3A_374 : i32
      %rem3A_379 = arith.remsi %add3A_309, %select_n3A_378 : i32
      %ne3A_380 = arith.constant 0 : i32
      %ne3A_381 = arith.cmpi ne, %rem3A_379, %ne3A_380 : i32
      %lt3A_382 = arith.constant 0 : i32
      %lt3A_383 = arith.cmpi slt, %rem3A_379, %lt3A_382 : i32
      %lt3A_384 = arith.constant 0 : i32
      %lt3A_385 = arith.cmpi slt, %select_n3A_378, %lt3A_384 : i32
      %ne3A_386 = arith.xori %lt3A_383, %lt3A_385 : i1
      %and3A_387 = arith.andi %ne3A_386, %ne3A_381 : i1
      %add3A_388 = arith.addi %rem3A_379, %select_n3A_378 : i32
      %select_n3A_389 = arith.select %and3A_387, %add3A_388, %rem3A_379 : i32
      %mul3A_390 = arith.constant 128 : i32
      %mul3A_391 = arith.muli %select_n3A_373, %mul3A_390 : i32
      %mul3A_392 = arith.constant 8 : i32
      %mul3A_393 = arith.muli %mul3A_392, %select_n3A_333 : i32
      %add3A_394 = arith.addi %mul3A_393, %select_n3A_389 : i32
      %dma_start3A_395 = arith.constant 256 : i32
      %dma_start3A_396 = arith.constant 0 : i32
      %dma_start3A_397 = tpu.memref_slice %arg6[%dma_start3A_395, %dma_start3A_396] : memref<1024x64xf32, #tpu.memory_space<vmem>> -> memref<128x64xf32, #tpu.memory_space<vmem>>
      %dma_start3A_398 = arith.constant 0 : i32
      %dma_start3A_399 = tpu.memref_slice %arg4[%mul3A_391, %add3A_394, %dma_start3A_398] : memref<4096x200x64xf32, #tpu.memory_space<hbm>> -> memref<128x1x64xf32, #tpu.memory_space<hbm>>
      %dma_start3A_400 = tpu.memref_squeeze %dma_start3A_399 : memref<128x1x64xf32, #tpu.memory_space<hbm>> -> memref<128x64xf32, #tpu.memory_space<hbm>>
      %dma_start3A_401 = arith.constant 0 : i32
      %dma_start3A_402 = tpu.memref_slice %arg4[%mul3A_391, %add3A_394, %dma_start3A_401] : memref<4096x200x64xf32, #tpu.memory_space<hbm>> -> memref<128x1x64xf32, #tpu.memory_space<hbm>>
      %dma_start3A_403 = tpu.memref_squeeze %dma_start3A_402 : memref<128x1x64xf32, #tpu.memory_space<hbm>> -> memref<128x64xf32, #tpu.memory_space<hbm>>
      %dma_start3A_404 = arith.constant 256 : i32
      %dma_start3A_405 = arith.constant 0 : i32
      %dma_start3A_406 = tpu.memref_slice %arg6[%dma_start3A_404, %dma_start3A_405] : memref<1024x64xf32, #tpu.memory_space<vmem>> -> memref<128x64xf32, #tpu.memory_space<vmem>>
      tpu.enqueue_dma source(%dma_start3A_406 : memref<128x64xf32, #tpu.memory_space<vmem>>) target(%dma_start3A_403 : memref<128x64xf32, #tpu.memory_space<hbm>>) target_semaphore(%arg8 : memref<!tpu.dma_semaphore, #tpu.memory_space<semaphore_mem>>)
      %dma_wait3A_407 = arith.constant 3 : i32
      %dma_wait3A_408 = arith.constant 384 : i32
      %dma_wait3A_409 = arith.constant 0 : i32
      %dma_wait3A_410 = tpu.memref_slice %arg6[%dma_wait3A_408, %dma_wait3A_409] : memref<1024x64xf32, #tpu.memory_space<vmem>> -> memref<128x64xf32, #tpu.memory_space<vmem>>
      %dma_wait3A_411 = arith.constant 0 : i32
      %dma_wait3A_412 = tpu.memref_slice %arg5[%dma_wait3A_407, %dma_wait3A_411] : memref<8x128xi32, #tpu.memory_space<vmem>> -> memref<1x128xi32, #tpu.memory_space<vmem>>
      %dma_wait3A_413 = tpu.memref_squeeze %dma_wait3A_412 : memref<1x128xi32, #tpu.memory_space<vmem>> -> memref<128xi32, #tpu.memory_space<vmem>>
      %dma_wait3A_414 = arith.constant 0 : i32
      %dma_wait3A_415 = arith.constant 0 : i32
      %dma_wait3A_416 = tpu.memref_slice %arg3[%dma_wait3A_414, %dma_wait3A_415] : memref<1000000x64xf32, #tpu.memory_space<hbm>> -> memref<1000000x64xf32, #tpu.memory_space<hbm>>
      tpu.wait_indirect_dma semaphore(%arg7 : memref<!tpu.dma_semaphore, #tpu.memory_space<semaphore_mem>>) src(%dma_wait3A_416 : memref<1000000x64xf32, #tpu.memory_space<hbm>>) dst(%dma_wait3A_410 : memref<128x64xf32, #tpu.memory_space<vmem>>)
      %add3A_417 = arith.constant 3 : i32
      %add3A_418 = arith.addi %add3A_11, %add3A_417 : i32
      %jit3A_419 = arith.constant 256 : i32
      %div3A_420 = arith.divsi %add3A_418, %jit3A_419 : i32
      %sign3A_421 = arith.constant 0 : i32
      %sign3A_422 = arith.cmpi sgt, %add3A_418, %sign3A_421 : i32
      %sign3A_423 = arith.extui %sign3A_422 : i1 to i32
      %sign3A_424 = arith.constant 0 : i32
      %sign3A_425 = arith.cmpi slt, %add3A_418, %sign3A_424 : i32
      %sign3A_426 = arith.extui %sign3A_425 : i1 to i32
      %sign3A_427 = arith.subi %sign3A_423, %sign3A_426 : i32
      %sign3A_428 = arith.constant 0 : i32
      %sign3A_429 = arith.cmpi sgt, %jit3A_419, %sign3A_428 : i32
      %sign3A_430 = arith.extui %sign3A_429 : i1 to i32
      %sign3A_431 = arith.constant 0 : i32
      %sign3A_432 = arith.cmpi slt, %jit3A_419, %sign3A_431 : i32
      %sign3A_433 = arith.extui %sign3A_432 : i1 to i32
      %sign3A_434 = arith.subi %sign3A_430, %sign3A_433 : i32
      %ne3A_435 = arith.cmpi ne, %sign3A_427, %sign3A_434 : i32
      %rem3A_436 = arith.remsi %add3A_418, %jit3A_419 : i32
      %ne3A_437 = arith.constant 0 : i32
      %ne3A_438 = arith.cmpi ne, %rem3A_436, %ne3A_437 : i32
      %and3A_439 = arith.andi %ne3A_435, %ne3A_438 : i1
      %sub3A_440 = arith.constant 1 : i32
      %sub3A_441 = arith.subi %div3A_420, %sub3A_440 : i32
      %select_n3A_442 = arith.select %and3A_439, %sub3A_441, %div3A_420 : i32
      %jit3A_443 = arith.constant 8 : i32
      %div3A_444 = arith.divsi %add3A_418, %jit3A_443 : i32
      %sign3A_445 = arith.constant 0 : i32
      %sign3A_446 = arith.cmpi sgt, %add3A_418, %sign3A_445 : i32
      %sign3A_447 = arith.extui %sign3A_446 : i1 to i32
      %sign3A_448 = arith.constant 0 : i32
      %sign3A_449 = arith.cmpi slt, %add3A_418, %sign3A_448 : i32
      %sign3A_450 = arith.extui %sign3A_449 : i1 to i32
      %sign3A_451 = arith.subi %sign3A_447, %sign3A_450 : i32
      %sign3A_452 = arith.constant 0 : i32
      %sign3A_453 = arith.cmpi sgt, %jit3A_443, %sign3A_452 : i32
      %sign3A_454 = arith.extui %sign3A_453 : i1 to i32
      %sign3A_455 = arith.constant 0 : i32
      %sign3A_456 = arith.cmpi slt, %jit3A_443, %sign3A_455 : i32
      %sign3A_457 = arith.extui %sign3A_456 : i1 to i32
      %sign3A_458 = arith.subi %sign3A_454, %sign3A_457 : i32
      %ne3A_459 = arith.cmpi ne, %sign3A_451, %sign3A_458 : i32
      %rem3A_460 = arith.remsi %add3A_418, %jit3A_443 : i32
      %ne3A_461 = arith.constant 0 : i32
      %ne3A_462 = arith.cmpi ne, %rem3A_460, %ne3A_461 : i32
      %and3A_463 = arith.andi %ne3A_459, %ne3A_462 : i1
      %sub3A_464 = arith.constant 1 : i32
      %sub3A_465 = arith.subi %div3A_444, %sub3A_464 : i32
      %select_n3A_466 = arith.select %and3A_463, %sub3A_465, %div3A_444 : i32
      %jit3A_467 = arith.constant 32 : i32
      %eq3A_468 = arith.constant 0 : i32
      %eq3A_469 = arith.cmpi eq, %jit3A_467, %eq3A_468 : i32
      %jit3A_470 = arith.constant 1 : i32
      %select_n3A_471 = arith.select %eq3A_469, %jit3A_470, %jit3A_467 : i32
      %rem3A_472 = arith.remsi %select_n3A_466, %select_n3A_471 : i32
      %ne3A_473 = arith.constant 0 : i32
      %ne3A_474 = arith.cmpi ne, %rem3A_472, %ne3A_473 : i32
      %lt3A_475 = arith.constant 0 : i32
      %lt3A_476 = arith.cmpi slt, %rem3A_472, %lt3A_475 : i32
      %lt3A_477 = arith.constant 0 : i32
      %lt3A_478 = arith.cmpi slt, %select_n3A_471, %lt3A_477 : i32
      %ne3A_479 = arith.xori %lt3A_476, %lt3A_478 : i1
      %and3A_480 = arith.andi %ne3A_479, %ne3A_474 : i1
      %add3A_481 = arith.addi %rem3A_472, %select_n3A_471 : i32
      %select_n3A_482 = arith.select %and3A_480, %add3A_481, %rem3A_472 : i32
      %jit3A_483 = arith.constant 8 : i32
      %eq3A_484 = arith.constant 0 : i32
      %eq3A_485 = arith.cmpi eq, %jit3A_483, %eq3A_484 : i32
      %jit3A_486 = arith.constant 1 : i32
      %select_n3A_487 = arith.select %eq3A_485, %jit3A_486, %jit3A_483 : i32
      %rem3A_488 = arith.remsi %add3A_418, %select_n3A_487 : i32
      %ne3A_489 = arith.constant 0 : i32
      %ne3A_490 = arith.cmpi ne, %rem3A_488, %ne3A_489 : i32
      %lt3A_491 = arith.constant 0 : i32
      %lt3A_492 = arith.cmpi slt, %rem3A_488, %lt3A_491 : i32
      %lt3A_493 = arith.constant 0 : i32
      %lt3A_494 = arith.cmpi slt, %select_n3A_487, %lt3A_493 : i32
      %ne3A_495 = arith.xori %lt3A_492, %lt3A_494 : i1
      %and3A_496 = arith.andi %ne3A_495, %ne3A_490 : i1
      %add3A_497 = arith.addi %rem3A_488, %select_n3A_487 : i32
      %select_n3A_498 = arith.select %and3A_496, %add3A_497, %rem3A_488 : i32
      %mul3A_499 = arith.constant 128 : i32
      %mul3A_500 = arith.muli %select_n3A_482, %mul3A_499 : i32
      %mul3A_501 = arith.constant 8 : i32
      %mul3A_502 = arith.muli %mul3A_501, %select_n3A_442 : i32
      %add3A_503 = arith.addi %mul3A_502, %select_n3A_498 : i32
      %dma_start3A_504 = arith.constant 384 : i32
      %dma_start3A_505 = arith.constant 0 : i32
      %dma_start3A_506 = tpu.memref_slice %arg6[%dma_start3A_504, %dma_start3A_505] : memref<1024x64xf32, #tpu.memory_space<vmem>> -> memref<128x64xf32, #tpu.memory_space<vmem>>
      %dma_start3A_507 = arith.constant 0 : i32
      %dma_start3A_508 = tpu.memref_slice %arg4[%mul3A_500, %add3A_503, %dma_start3A_507] : memref<4096x200x64xf32, #tpu.memory_space<hbm>> -> memref<128x1x64xf32, #tpu.memory_space<hbm>>
      %dma_start3A_509 = tpu.memref_squeeze %dma_start3A_508 : memref<128x1x64xf32, #tpu.memory_space<hbm>> -> memref<128x64xf32, #tpu.memory_space<hbm>>
      %dma_start3A_510 = arith.constant 0 : i32
      %dma_start3A_511 = tpu.memref_slice %arg4[%mul3A_500, %add3A_503, %dma_start3A_510] : memref<4096x200x64xf32, #tpu.memory_space<hbm>> -> memref<128x1x64xf32, #tpu.memory_space<hbm>>
      %dma_start3A_512 = tpu.memref_squeeze %dma_start3A_511 : memref<128x1x64xf32, #tpu.memory_space<hbm>> -> memref<128x64xf32, #tpu.memory_space<hbm>>
      %dma_start3A_513 = arith.constant 384 : i32
      %dma_start3A_514 = arith.constant 0 : i32
      %dma_start3A_515 = tpu.memref_slice %arg6[%dma_start3A_513, %dma_start3A_514] : memref<1024x64xf32, #tpu.memory_space<vmem>> -> memref<128x64xf32, #tpu.memory_space<vmem>>
      tpu.enqueue_dma source(%dma_start3A_515 : memref<128x64xf32, #tpu.memory_space<vmem>>) target(%dma_start3A_512 : memref<128x64xf32, #tpu.memory_space<hbm>>) target_semaphore(%arg8 : memref<!tpu.dma_semaphore, #tpu.memory_space<semaphore_mem>>)
      %dma_wait3A_516 = arith.constant 4 : i32
      %dma_wait3A_517 = arith.constant 512 : i32
      %dma_wait3A_518 = arith.constant 0 : i32
      %dma_wait3A_519 = tpu.memref_slice %arg6[%dma_wait3A_517, %dma_wait3A_518] : memref<1024x64xf32, #tpu.memory_space<vmem>> -> memref<128x64xf32, #tpu.memory_space<vmem>>
      %dma_wait3A_520 = arith.constant 0 : i32
      %dma_wait3A_521 = tpu.memref_slice %arg5[%dma_wait3A_516, %dma_wait3A_520] : memref<8x128xi32, #tpu.memory_space<vmem>> -> memref<1x128xi32, #tpu.memory_space<vmem>>
      %dma_wait3A_522 = tpu.memref_squeeze %dma_wait3A_521 : memref<1x128xi32, #tpu.memory_space<vmem>> -> memref<128xi32, #tpu.memory_space<vmem>>
      %dma_wait3A_523 = arith.constant 0 : i32
      %dma_wait3A_524 = arith.constant 0 : i32
      %dma_wait3A_525 = tpu.memref_slice %arg3[%dma_wait3A_523, %dma_wait3A_524] : memref<1000000x64xf32, #tpu.memory_space<hbm>> -> memref<1000000x64xf32, #tpu.memory_space<hbm>>
      tpu.wait_indirect_dma semaphore(%arg7 : memref<!tpu.dma_semaphore, #tpu.memory_space<semaphore_mem>>) src(%dma_wait3A_525 : memref<1000000x64xf32, #tpu.memory_space<hbm>>) dst(%dma_wait3A_519 : memref<128x64xf32, #tpu.memory_space<vmem>>)
      %add3A_526 = arith.constant 4 : i32
      %add3A_527 = arith.addi %add3A_11, %add3A_526 : i32
      %jit3A_528 = arith.constant 256 : i32
      %div3A_529 = arith.divsi %add3A_527, %jit3A_528 : i32
      %sign3A_530 = arith.constant 0 : i32
      %sign3A_531 = arith.cmpi sgt, %add3A_527, %sign3A_530 : i32
      %sign3A_532 = arith.extui %sign3A_531 : i1 to i32
      %sign3A_533 = arith.constant 0 : i32
      %sign3A_534 = arith.cmpi slt, %add3A_527, %sign3A_533 : i32
      %sign3A_535 = arith.extui %sign3A_534 : i1 to i32
      %sign3A_536 = arith.subi %sign3A_532, %sign3A_535 : i32
      %sign3A_537 = arith.constant 0 : i32
      %sign3A_538 = arith.cmpi sgt, %jit3A_528, %sign3A_537 : i32
      %sign3A_539 = arith.extui %sign3A_538 : i1 to i32
      %sign3A_540 = arith.constant 0 : i32
      %sign3A_541 = arith.cmpi slt, %jit3A_528, %sign3A_540 : i32
      %sign3A_542 = arith.extui %sign3A_541 : i1 to i32
      %sign3A_543 = arith.subi %sign3A_539, %sign3A_542 : i32
      %ne3A_544 = arith.cmpi ne, %sign3A_536, %sign3A_543 : i32
      %rem3A_545 = arith.remsi %add3A_527, %jit3A_528 : i32
      %ne3A_546 = arith.constant 0 : i32
      %ne3A_547 = arith.cmpi ne, %rem3A_545, %ne3A_546 : i32
      %and3A_548 = arith.andi %ne3A_544, %ne3A_547 : i1
      %sub3A_549 = arith.constant 1 : i32
      %sub3A_550 = arith.subi %div3A_529, %sub3A_549 : i32
      %select_n3A_551 = arith.select %and3A_548, %sub3A_550, %div3A_529 : i32
      %jit3A_552 = arith.constant 8 : i32
      %div3A_553 = arith.divsi %add3A_527, %jit3A_552 : i32
      %sign3A_554 = arith.constant 0 : i32
      %sign3A_555 = arith.cmpi sgt, %add3A_527, %sign3A_554 : i32
      %sign3A_556 = arith.extui %sign3A_555 : i1 to i32
      %sign3A_557 = arith.constant 0 : i32
      %sign3A_558 = arith.cmpi slt, %add3A_527, %sign3A_557 : i32
      %sign3A_559 = arith.extui %sign3A_558 : i1 to i32
      %sign3A_560 = arith.subi %sign3A_556, %sign3A_559 : i32
      %sign3A_561 = arith.constant 0 : i32
      %sign3A_562 = arith.cmpi sgt, %jit3A_552, %sign3A_561 : i32
      %sign3A_563 = arith.extui %sign3A_562 : i1 to i32
      %sign3A_564 = arith.constant 0 : i32
      %sign3A_565 = arith.cmpi slt, %jit3A_552, %sign3A_564 : i32
      %sign3A_566 = arith.extui %sign3A_565 : i1 to i32
      %sign3A_567 = arith.subi %sign3A_563, %sign3A_566 : i32
      %ne3A_568 = arith.cmpi ne, %sign3A_560, %sign3A_567 : i32
      %rem3A_569 = arith.remsi %add3A_527, %jit3A_552 : i32
      %ne3A_570 = arith.constant 0 : i32
      %ne3A_571 = arith.cmpi ne, %rem3A_569, %ne3A_570 : i32
      %and3A_572 = arith.andi %ne3A_568, %ne3A_571 : i1
      %sub3A_573 = arith.constant 1 : i32
      %sub3A_574 = arith.subi %div3A_553, %sub3A_573 : i32
      %select_n3A_575 = arith.select %and3A_572, %sub3A_574, %div3A_553 : i32
      %jit3A_576 = arith.constant 32 : i32
      %eq3A_577 = arith.constant 0 : i32
      %eq3A_578 = arith.cmpi eq, %jit3A_576, %eq3A_577 : i32
      %jit3A_579 = arith.constant 1 : i32
      %select_n3A_580 = arith.select %eq3A_578, %jit3A_579, %jit3A_576 : i32
      %rem3A_581 = arith.remsi %select_n3A_575, %select_n3A_580 : i32
      %ne3A_582 = arith.constant 0 : i32
      %ne3A_583 = arith.cmpi ne, %rem3A_581, %ne3A_582 : i32
      %lt3A_584 = arith.constant 0 : i32
      %lt3A_585 = arith.cmpi slt, %rem3A_581, %lt3A_584 : i32
      %lt3A_586 = arith.constant 0 : i32
      %lt3A_587 = arith.cmpi slt, %select_n3A_580, %lt3A_586 : i32
      %ne3A_588 = arith.xori %lt3A_585, %lt3A_587 : i1
      %and3A_589 = arith.andi %ne3A_588, %ne3A_583 : i1
      %add3A_590 = arith.addi %rem3A_581, %select_n3A_580 : i32
      %select_n3A_591 = arith.select %and3A_589, %add3A_590, %rem3A_581 : i32
      %jit3A_592 = arith.constant 8 : i32
      %eq3A_593 = arith.constant 0 : i32
      %eq3A_594 = arith.cmpi eq, %jit3A_592, %eq3A_593 : i32
      %jit3A_595 = arith.constant 1 : i32
      %select_n3A_596 = arith.select %eq3A_594, %jit3A_595, %jit3A_592 : i32
      %rem3A_597 = arith.remsi %add3A_527, %select_n3A_596 : i32
      %ne3A_598 = arith.constant 0 : i32
      %ne3A_599 = arith.cmpi ne, %rem3A_597, %ne3A_598 : i32
      %lt3A_600 = arith.constant 0 : i32
      %lt3A_601 = arith.cmpi slt, %rem3A_597, %lt3A_600 : i32
      %lt3A_602 = arith.constant 0 : i32
      %lt3A_603 = arith.cmpi slt, %select_n3A_596, %lt3A_602 : i32
      %ne3A_604 = arith.xori %lt3A_601, %lt3A_603 : i1
      %and3A_605 = arith.andi %ne3A_604, %ne3A_599 : i1
      %add3A_606 = arith.addi %rem3A_597, %select_n3A_596 : i32
      %select_n3A_607 = arith.select %and3A_605, %add3A_606, %rem3A_597 : i32
      %mul3A_608 = arith.constant 128 : i32
      %mul3A_609 = arith.muli %select_n3A_591, %mul3A_608 : i32
      %mul3A_610 = arith.constant 8 : i32
      %mul3A_611 = arith.muli %mul3A_610, %select_n3A_551 : i32
      %add3A_612 = arith.addi %mul3A_611, %select_n3A_607 : i32
      %dma_start3A_613 = arith.constant 512 : i32
      %dma_start3A_614 = arith.constant 0 : i32
      %dma_start3A_615 = tpu.memref_slice %arg6[%dma_start3A_613, %dma_start3A_614] : memref<1024x64xf32, #tpu.memory_space<vmem>> -> memref<128x64xf32, #tpu.memory_space<vmem>>
      %dma_start3A_616 = arith.constant 0 : i32
      %dma_start3A_617 = tpu.memref_slice %arg4[%mul3A_609, %add3A_612, %dma_start3A_616] : memref<4096x200x64xf32, #tpu.memory_space<hbm>> -> memref<128x1x64xf32, #tpu.memory_space<hbm>>
      %dma_start3A_618 = tpu.memref_squeeze %dma_start3A_617 : memref<128x1x64xf32, #tpu.memory_space<hbm>> -> memref<128x64xf32, #tpu.memory_space<hbm>>
      %dma_start3A_619 = arith.constant 0 : i32
      %dma_start3A_620 = tpu.memref_slice %arg4[%mul3A_609, %add3A_612, %dma_start3A_619] : memref<4096x200x64xf32, #tpu.memory_space<hbm>> -> memref<128x1x64xf32, #tpu.memory_space<hbm>>
      %dma_start3A_621 = tpu.memref_squeeze %dma_start3A_620 : memref<128x1x64xf32, #tpu.memory_space<hbm>> -> memref<128x64xf32, #tpu.memory_space<hbm>>
      %dma_start3A_622 = arith.constant 512 : i32
      %dma_start3A_623 = arith.constant 0 : i32
      %dma_start3A_624 = tpu.memref_slice %arg6[%dma_start3A_622, %dma_start3A_623] : memref<1024x64xf32, #tpu.memory_space<vmem>> -> memref<128x64xf32, #tpu.memory_space<vmem>>
      tpu.enqueue_dma source(%dma_start3A_624 : memref<128x64xf32, #tpu.memory_space<vmem>>) target(%dma_start3A_621 : memref<128x64xf32, #tpu.memory_space<hbm>>) target_semaphore(%arg8 : memref<!tpu.dma_semaphore, #tpu.memory_space<semaphore_mem>>)
      %dma_wait3A_625 = arith.constant 5 : i32
      %dma_wait3A_626 = arith.constant 640 : i32
      %dma_wait3A_627 = arith.constant 0 : i32
      %dma_wait3A_628 = tpu.memref_slice %arg6[%dma_wait3A_626, %dma_wait3A_627] : memref<1024x64xf32, #tpu.memory_space<vmem>> -> memref<128x64xf32, #tpu.memory_space<vmem>>
      %dma_wait3A_629 = arith.constant 0 : i32
      %dma_wait3A_630 = tpu.memref_slice %arg5[%dma_wait3A_625, %dma_wait3A_629] : memref<8x128xi32, #tpu.memory_space<vmem>> -> memref<1x128xi32, #tpu.memory_space<vmem>>
      %dma_wait3A_631 = tpu.memref_squeeze %dma_wait3A_630 : memref<1x128xi32, #tpu.memory_space<vmem>> -> memref<128xi32, #tpu.memory_space<vmem>>
      %dma_wait3A_632 = arith.constant 0 : i32
      %dma_wait3A_633 = arith.constant 0 : i32
      %dma_wait3A_634 = tpu.memref_slice %arg3[%dma_wait3A_632, %dma_wait3A_633] : memref<1000000x64xf32, #tpu.memory_space<hbm>> -> memref<1000000x64xf32, #tpu.memory_space<hbm>>
      tpu.wait_indirect_dma semaphore(%arg7 : memref<!tpu.dma_semaphore, #tpu.memory_space<semaphore_mem>>) src(%dma_wait3A_634 : memref<1000000x64xf32, #tpu.memory_space<hbm>>) dst(%dma_wait3A_628 : memref<128x64xf32, #tpu.memory_space<vmem>>)
      %add3A_635 = arith.constant 5 : i32
      %add3A_636 = arith.addi %add3A_11, %add3A_635 : i32
      %jit3A_637 = arith.constant 256 : i32
      %div3A_638 = arith.divsi %add3A_636, %jit3A_637 : i32
      %sign3A_639 = arith.constant 0 : i32
      %sign3A_640 = arith.cmpi sgt, %add3A_636, %sign3A_639 : i32
      %sign3A_641 = arith.extui %sign3A_640 : i1 to i32
      %sign3A_642 = arith.constant 0 : i32
      %sign3A_643 = arith.cmpi slt, %add3A_636, %sign3A_642 : i32
      %sign3A_644 = arith.extui %sign3A_643 : i1 to i32
      %sign3A_645 = arith.subi %sign3A_641, %sign3A_644 : i32
      %sign3A_646 = arith.constant 0 : i32
      %sign3A_647 = arith.cmpi sgt, %jit3A_637, %sign3A_646 : i32
      %sign3A_648 = arith.extui %sign3A_647 : i1 to i32
      %sign3A_649 = arith.constant 0 : i32
      %sign3A_650 = arith.cmpi slt, %jit3A_637, %sign3A_649 : i32
      %sign3A_651 = arith.extui %sign3A_650 : i1 to i32
      %sign3A_652 = arith.subi %sign3A_648, %sign3A_651 : i32
      %ne3A_653 = arith.cmpi ne, %sign3A_645, %sign3A_652 : i32
      %rem3A_654 = arith.remsi %add3A_636, %jit3A_637 : i32
      %ne3A_655 = arith.constant 0 : i32
      %ne3A_656 = arith.cmpi ne, %rem3A_654, %ne3A_655 : i32
      %and3A_657 = arith.andi %ne3A_653, %ne3A_656 : i1
      %sub3A_658 = arith.constant 1 : i32
      %sub3A_659 = arith.subi %div3A_638, %sub3A_658 : i32
      %select_n3A_660 = arith.select %and3A_657, %sub3A_659, %div3A_638 : i32
      %jit3A_661 = arith.constant 8 : i32
      %div3A_662 = arith.divsi %add3A_636, %jit3A_661 : i32
      %sign3A_663 = arith.constant 0 : i32
      %sign3A_664 = arith.cmpi sgt, %add3A_636, %sign3A_663 : i32
      %sign3A_665 = arith.extui %sign3A_664 : i1 to i32
      %sign3A_666 = arith.constant 0 : i32
      %sign3A_667 = arith.cmpi slt, %add3A_636, %sign3A_666 : i32
      %sign3A_668 = arith.extui %sign3A_667 : i1 to i32
      %sign3A_669 = arith.subi %sign3A_665, %sign3A_668 : i32
      %sign3A_670 = arith.constant 0 : i32
      %sign3A_671 = arith.cmpi sgt, %jit3A_661, %sign3A_670 : i32
      %sign3A_672 = arith.extui %sign3A_671 : i1 to i32
      %sign3A_673 = arith.constant 0 : i32
      %sign3A_674 = arith.cmpi slt, %jit3A_661, %sign3A_673 : i32
      %sign3A_675 = arith.extui %sign3A_674 : i1 to i32
      %sign3A_676 = arith.subi %sign3A_672, %sign3A_675 : i32
      %ne3A_677 = arith.cmpi ne, %sign3A_669, %sign3A_676 : i32
      %rem3A_678 = arith.remsi %add3A_636, %jit3A_661 : i32
      %ne3A_679 = arith.constant 0 : i32
      %ne3A_680 = arith.cmpi ne, %rem3A_678, %ne3A_679 : i32
      %and3A_681 = arith.andi %ne3A_677, %ne3A_680 : i1
      %sub3A_682 = arith.constant 1 : i32
      %sub3A_683 = arith.subi %div3A_662, %sub3A_682 : i32
      %select_n3A_684 = arith.select %and3A_681, %sub3A_683, %div3A_662 : i32
      %jit3A_685 = arith.constant 32 : i32
      %eq3A_686 = arith.constant 0 : i32
      %eq3A_687 = arith.cmpi eq, %jit3A_685, %eq3A_686 : i32
      %jit3A_688 = arith.constant 1 : i32
      %select_n3A_689 = arith.select %eq3A_687, %jit3A_688, %jit3A_685 : i32
      %rem3A_690 = arith.remsi %select_n3A_684, %select_n3A_689 : i32
      %ne3A_691 = arith.constant 0 : i32
      %ne3A_692 = arith.cmpi ne, %rem3A_690, %ne3A_691 : i32
      %lt3A_693 = arith.constant 0 : i32
      %lt3A_694 = arith.cmpi slt, %rem3A_690, %lt3A_693 : i32
      %lt3A_695 = arith.constant 0 : i32
      %lt3A_696 = arith.cmpi slt, %select_n3A_689, %lt3A_695 : i32
      %ne3A_697 = arith.xori %lt3A_694, %lt3A_696 : i1
      %and3A_698 = arith.andi %ne3A_697, %ne3A_692 : i1
      %add3A_699 = arith.addi %rem3A_690, %select_n3A_689 : i32
      %select_n3A_700 = arith.select %and3A_698, %add3A_699, %rem3A_690 : i32
      %jit3A_701 = arith.constant 8 : i32
      %eq3A_702 = arith.constant 0 : i32
      %eq3A_703 = arith.cmpi eq, %jit3A_701, %eq3A_702 : i32
      %jit3A_704 = arith.constant 1 : i32
      %select_n3A_705 = arith.select %eq3A_703, %jit3A_704, %jit3A_701 : i32
      %rem3A_706 = arith.remsi %add3A_636, %select_n3A_705 : i32
      %ne3A_707 = arith.constant 0 : i32
      %ne3A_708 = arith.cmpi ne, %rem3A_706, %ne3A_707 : i32
      %lt3A_709 = arith.constant 0 : i32
      %lt3A_710 = arith.cmpi slt, %rem3A_706, %lt3A_709 : i32
      %lt3A_711 = arith.constant 0 : i32
      %lt3A_712 = arith.cmpi slt, %select_n3A_705, %lt3A_711 : i32
      %ne3A_713 = arith.xori %lt3A_710, %lt3A_712 : i1
      %and3A_714 = arith.andi %ne3A_713, %ne3A_708 : i1
      %add3A_715 = arith.addi %rem3A_706, %select_n3A_705 : i32
      %select_n3A_716 = arith.select %and3A_714, %add3A_715, %rem3A_706 : i32
      %mul3A_717 = arith.constant 128 : i32
      %mul3A_718 = arith.muli %select_n3A_700, %mul3A_717 : i32
      %mul3A_719 = arith.constant 8 : i32
      %mul3A_720 = arith.muli %mul3A_719, %select_n3A_660 : i32
      %add3A_721 = arith.addi %mul3A_720, %select_n3A_716 : i32
      %dma_start3A_722 = arith.constant 640 : i32
      %dma_start3A_723 = arith.constant 0 : i32
      %dma_start3A_724 = tpu.memref_slice %arg6[%dma_start3A_722, %dma_start3A_723] : memref<1024x64xf32, #tpu.memory_space<vmem>> -> memref<128x64xf32, #tpu.memory_space<vmem>>
      %dma_start3A_725 = arith.constant 0 : i32
      %dma_start3A_726 = tpu.memref_slice %arg4[%mul3A_718, %add3A_721, %dma_start3A_725] : memref<4096x200x64xf32, #tpu.memory_space<hbm>> -> memref<128x1x64xf32, #tpu.memory_space<hbm>>
      %dma_start3A_727 = tpu.memref_squeeze %dma_start3A_726 : memref<128x1x64xf32, #tpu.memory_space<hbm>> -> memref<128x64xf32, #tpu.memory_space<hbm>>
      %dma_start3A_728 = arith.constant 0 : i32
      %dma_start3A_729 = tpu.memref_slice %arg4[%mul3A_718, %add3A_721, %dma_start3A_728] : memref<4096x200x64xf32, #tpu.memory_space<hbm>> -> memref<128x1x64xf32, #tpu.memory_space<hbm>>
      %dma_start3A_730 = tpu.memref_squeeze %dma_start3A_729 : memref<128x1x64xf32, #tpu.memory_space<hbm>> -> memref<128x64xf32, #tpu.memory_space<hbm>>
      %dma_start3A_731 = arith.constant 640 : i32
      %dma_start3A_732 = arith.constant 0 : i32
      %dma_start3A_733 = tpu.memref_slice %arg6[%dma_start3A_731, %dma_start3A_732] : memref<1024x64xf32, #tpu.memory_space<vmem>> -> memref<128x64xf32, #tpu.memory_space<vmem>>
      tpu.enqueue_dma source(%dma_start3A_733 : memref<128x64xf32, #tpu.memory_space<vmem>>) target(%dma_start3A_730 : memref<128x64xf32, #tpu.memory_space<hbm>>) target_semaphore(%arg8 : memref<!tpu.dma_semaphore, #tpu.memory_space<semaphore_mem>>)
      %dma_wait3A_734 = arith.constant 6 : i32
      %dma_wait3A_735 = arith.constant 768 : i32
      %dma_wait3A_736 = arith.constant 0 : i32
      %dma_wait3A_737 = tpu.memref_slice %arg6[%dma_wait3A_735, %dma_wait3A_736] : memref<1024x64xf32, #tpu.memory_space<vmem>> -> memref<128x64xf32, #tpu.memory_space<vmem>>
      %dma_wait3A_738 = arith.constant 0 : i32
      %dma_wait3A_739 = tpu.memref_slice %arg5[%dma_wait3A_734, %dma_wait3A_738] : memref<8x128xi32, #tpu.memory_space<vmem>> -> memref<1x128xi32, #tpu.memory_space<vmem>>
      %dma_wait3A_740 = tpu.memref_squeeze %dma_wait3A_739 : memref<1x128xi32, #tpu.memory_space<vmem>> -> memref<128xi32, #tpu.memory_space<vmem>>
      %dma_wait3A_741 = arith.constant 0 : i32
      %dma_wait3A_742 = arith.constant 0 : i32
      %dma_wait3A_743 = tpu.memref_slice %arg3[%dma_wait3A_741, %dma_wait3A_742] : memref<1000000x64xf32, #tpu.memory_space<hbm>> -> memref<1000000x64xf32, #tpu.memory_space<hbm>>
      tpu.wait_indirect_dma semaphore(%arg7 : memref<!tpu.dma_semaphore, #tpu.memory_space<semaphore_mem>>) src(%dma_wait3A_743 : memref<1000000x64xf32, #tpu.memory_space<hbm>>) dst(%dma_wait3A_737 : memref<128x64xf32, #tpu.memory_space<vmem>>)
      %add3A_744 = arith.constant 6 : i32
      %add3A_745 = arith.addi %add3A_11, %add3A_744 : i32
      %jit3A_746 = arith.constant 256 : i32
      %div3A_747 = arith.divsi %add3A_745, %jit3A_746 : i32
      %sign3A_748 = arith.constant 0 : i32
      %sign3A_749 = arith.cmpi sgt, %add3A_745, %sign3A_748 : i32
      %sign3A_750 = arith.extui %sign3A_749 : i1 to i32
      %sign3A_751 = arith.constant 0 : i32
      %sign3A_752 = arith.cmpi slt, %add3A_745, %sign3A_751 : i32
      %sign3A_753 = arith.extui %sign3A_752 : i1 to i32
      %sign3A_754 = arith.subi %sign3A_750, %sign3A_753 : i32
      %sign3A_755 = arith.constant 0 : i32
      %sign3A_756 = arith.cmpi sgt, %jit3A_746, %sign3A_755 : i32
      %sign3A_757 = arith.extui %sign3A_756 : i1 to i32
      %sign3A_758 = arith.constant 0 : i32
      %sign3A_759 = arith.cmpi slt, %jit3A_746, %sign3A_758 : i32
      %sign3A_760 = arith.extui %sign3A_759 : i1 to i32
      %sign3A_761 = arith.subi %sign3A_757, %sign3A_760 : i32
      %ne3A_762 = arith.cmpi ne, %sign3A_754, %sign3A_761 : i32
      %rem3A_763 = arith.remsi %add3A_745, %jit3A_746 : i32
      %ne3A_764 = arith.constant 0 : i32
      %ne3A_765 = arith.cmpi ne, %rem3A_763, %ne3A_764 : i32
      %and3A_766 = arith.andi %ne3A_762, %ne3A_765 : i1
      %sub3A_767 = arith.constant 1 : i32
      %sub3A_768 = arith.subi %div3A_747, %sub3A_767 : i32
      %select_n3A_769 = arith.select %and3A_766, %sub3A_768, %div3A_747 : i32
      %jit3A_770 = arith.constant 8 : i32
      %div3A_771 = arith.divsi %add3A_745, %jit3A_770 : i32
      %sign3A_772 = arith.constant 0 : i32
      %sign3A_773 = arith.cmpi sgt, %add3A_745, %sign3A_772 : i32
      %sign3A_774 = arith.extui %sign3A_773 : i1 to i32
      %sign3A_775 = arith.constant 0 : i32
      %sign3A_776 = arith.cmpi slt, %add3A_745, %sign3A_775 : i32
      %sign3A_777 = arith.extui %sign3A_776 : i1 to i32
      %sign3A_778 = arith.subi %sign3A_774, %sign3A_777 : i32
      %sign3A_779 = arith.constant 0 : i32
      %sign3A_780 = arith.cmpi sgt, %jit3A_770, %sign3A_779 : i32
      %sign3A_781 = arith.extui %sign3A_780 : i1 to i32
      %sign3A_782 = arith.constant 0 : i32
      %sign3A_783 = arith.cmpi slt, %jit3A_770, %sign3A_782 : i32
      %sign3A_784 = arith.extui %sign3A_783 : i1 to i32
      %sign3A_785 = arith.subi %sign3A_781, %sign3A_784 : i32
      %ne3A_786 = arith.cmpi ne, %sign3A_778, %sign3A_785 : i32
      %rem3A_787 = arith.remsi %add3A_745, %jit3A_770 : i32
      %ne3A_788 = arith.constant 0 : i32
      %ne3A_789 = arith.cmpi ne, %rem3A_787, %ne3A_788 : i32
      %and3A_790 = arith.andi %ne3A_786, %ne3A_789 : i1
      %sub3A_791 = arith.constant 1 : i32
      %sub3A_792 = arith.subi %div3A_771, %sub3A_791 : i32
      %select_n3A_793 = arith.select %and3A_790, %sub3A_792, %div3A_771 : i32
      %jit3A_794 = arith.constant 32 : i32
      %eq3A_795 = arith.constant 0 : i32
      %eq3A_796 = arith.cmpi eq, %jit3A_794, %eq3A_795 : i32
      %jit3A_797 = arith.constant 1 : i32
      %select_n3A_798 = arith.select %eq3A_796, %jit3A_797, %jit3A_794 : i32
      %rem3A_799 = arith.remsi %select_n3A_793, %select_n3A_798 : i32
      %ne3A_800 = arith.constant 0 : i32
      %ne3A_801 = arith.cmpi ne, %rem3A_799, %ne3A_800 : i32
      %lt3A_802 = arith.constant 0 : i32
      %lt3A_803 = arith.cmpi slt, %rem3A_799, %lt3A_802 : i32
      %lt3A_804 = arith.constant 0 : i32
      %lt3A_805 = arith.cmpi slt, %select_n3A_798, %lt3A_804 : i32
      %ne3A_806 = arith.xori %lt3A_803, %lt3A_805 : i1
      %and3A_807 = arith.andi %ne3A_806, %ne3A_801 : i1
      %add3A_808 = arith.addi %rem3A_799, %select_n3A_798 : i32
      %select_n3A_809 = arith.select %and3A_807, %add3A_808, %rem3A_799 : i32
      %jit3A_810 = arith.constant 8 : i32
      %eq3A_811 = arith.constant 0 : i32
      %eq3A_812 = arith.cmpi eq, %jit3A_810, %eq3A_811 : i32
      %jit3A_813 = arith.constant 1 : i32
      %select_n3A_814 = arith.select %eq3A_812, %jit3A_813, %jit3A_810 : i32
      %rem3A_815 = arith.remsi %add3A_745, %select_n3A_814 : i32
      %ne3A_816 = arith.constant 0 : i32
      %ne3A_817 = arith.cmpi ne, %rem3A_815, %ne3A_816 : i32
      %lt3A_818 = arith.constant 0 : i32
      %lt3A_819 = arith.cmpi slt, %rem3A_815, %lt3A_818 : i32
      %lt3A_820 = arith.constant 0 : i32
      %lt3A_821 = arith.cmpi slt, %select_n3A_814, %lt3A_820 : i32
      %ne3A_822 = arith.xori %lt3A_819, %lt3A_821 : i1
      %and3A_823 = arith.andi %ne3A_822, %ne3A_817 : i1
      %add3A_824 = arith.addi %rem3A_815, %select_n3A_814 : i32
      %select_n3A_825 = arith.select %and3A_823, %add3A_824, %rem3A_815 : i32
      %mul3A_826 = arith.constant 128 : i32
      %mul3A_827 = arith.muli %select_n3A_809, %mul3A_826 : i32
      %mul3A_828 = arith.constant 8 : i32
      %mul3A_829 = arith.muli %mul3A_828, %select_n3A_769 : i32
      %add3A_830 = arith.addi %mul3A_829, %select_n3A_825 : i32
      %dma_start3A_831 = arith.constant 768 : i32
      %dma_start3A_832 = arith.constant 0 : i32
      %dma_start3A_833 = tpu.memref_slice %arg6[%dma_start3A_831, %dma_start3A_832] : memref<1024x64xf32, #tpu.memory_space<vmem>> -> memref<128x64xf32, #tpu.memory_space<vmem>>
      %dma_start3A_834 = arith.constant 0 : i32
      %dma_start3A_835 = tpu.memref_slice %arg4[%mul3A_827, %add3A_830, %dma_start3A_834] : memref<4096x200x64xf32, #tpu.memory_space<hbm>> -> memref<128x1x64xf32, #tpu.memory_space<hbm>>
      %dma_start3A_836 = tpu.memref_squeeze %dma_start3A_835 : memref<128x1x64xf32, #tpu.memory_space<hbm>> -> memref<128x64xf32, #tpu.memory_space<hbm>>
      %dma_start3A_837 = arith.constant 0 : i32
      %dma_start3A_838 = tpu.memref_slice %arg4[%mul3A_827, %add3A_830, %dma_start3A_837] : memref<4096x200x64xf32, #tpu.memory_space<hbm>> -> memref<128x1x64xf32, #tpu.memory_space<hbm>>
      %dma_start3A_839 = tpu.memref_squeeze %dma_start3A_838 : memref<128x1x64xf32, #tpu.memory_space<hbm>> -> memref<128x64xf32, #tpu.memory_space<hbm>>
      %dma_start3A_840 = arith.constant 768 : i32
      %dma_start3A_841 = arith.constant 0 : i32
      %dma_start3A_842 = tpu.memref_slice %arg6[%dma_start3A_840, %dma_start3A_841] : memref<1024x64xf32, #tpu.memory_space<vmem>> -> memref<128x64xf32, #tpu.memory_space<vmem>>
      tpu.enqueue_dma source(%dma_start3A_842 : memref<128x64xf32, #tpu.memory_space<vmem>>) target(%dma_start3A_839 : memref<128x64xf32, #tpu.memory_space<hbm>>) target_semaphore(%arg8 : memref<!tpu.dma_semaphore, #tpu.memory_space<semaphore_mem>>)
      %dma_wait3A_843 = arith.constant 7 : i32
      %dma_wait3A_844 = arith.constant 896 : i32
      %dma_wait3A_845 = arith.constant 0 : i32
      %dma_wait3A_846 = tpu.memref_slice %arg6[%dma_wait3A_844, %dma_wait3A_845] : memref<1024x64xf32, #tpu.memory_space<vmem>> -> memref<128x64xf32, #tpu.memory_space<vmem>>
      %dma_wait3A_847 = arith.constant 0 : i32
      %dma_wait3A_848 = tpu.memref_slice %arg5[%dma_wait3A_843, %dma_wait3A_847] : memref<8x128xi32, #tpu.memory_space<vmem>> -> memref<1x128xi32, #tpu.memory_space<vmem>>
      %dma_wait3A_849 = tpu.memref_squeeze %dma_wait3A_848 : memref<1x128xi32, #tpu.memory_space<vmem>> -> memref<128xi32, #tpu.memory_space<vmem>>
      %dma_wait3A_850 = arith.constant 0 : i32
      %dma_wait3A_851 = arith.constant 0 : i32
      %dma_wait3A_852 = tpu.memref_slice %arg3[%dma_wait3A_850, %dma_wait3A_851] : memref<1000000x64xf32, #tpu.memory_space<hbm>> -> memref<1000000x64xf32, #tpu.memory_space<hbm>>
      tpu.wait_indirect_dma semaphore(%arg7 : memref<!tpu.dma_semaphore, #tpu.memory_space<semaphore_mem>>) src(%dma_wait3A_852 : memref<1000000x64xf32, #tpu.memory_space<hbm>>) dst(%dma_wait3A_846 : memref<128x64xf32, #tpu.memory_space<vmem>>)
      %add3A_853 = arith.constant 7 : i32
      %add3A_854 = arith.addi %add3A_11, %add3A_853 : i32
      %jit3A_855 = arith.constant 256 : i32
      %div3A_856 = arith.divsi %add3A_854, %jit3A_855 : i32
      %sign3A_857 = arith.constant 0 : i32
      %sign3A_858 = arith.cmpi sgt, %add3A_854, %sign3A_857 : i32
      %sign3A_859 = arith.extui %sign3A_858 : i1 to i32
      %sign3A_860 = arith.constant 0 : i32
      %sign3A_861 = arith.cmpi slt, %add3A_854, %sign3A_860 : i32
      %sign3A_862 = arith.extui %sign3A_861 : i1 to i32
      %sign3A_863 = arith.subi %sign3A_859, %sign3A_862 : i32
      %sign3A_864 = arith.constant 0 : i32
      %sign3A_865 = arith.cmpi sgt, %jit3A_855, %sign3A_864 : i32
      %sign3A_866 = arith.extui %sign3A_865 : i1 to i32
      %sign3A_867 = arith.constant 0 : i32
      %sign3A_868 = arith.cmpi slt, %jit3A_855, %sign3A_867 : i32
      %sign3A_869 = arith.extui %sign3A_868 : i1 to i32
      %sign3A_870 = arith.subi %sign3A_866, %sign3A_869 : i32
      %ne3A_871 = arith.cmpi ne, %sign3A_863, %sign3A_870 : i32
      %rem3A_872 = arith.remsi %add3A_854, %jit3A_855 : i32
      %ne3A_873 = arith.constant 0 : i32
      %ne3A_874 = arith.cmpi ne, %rem3A_872, %ne3A_873 : i32
      %and3A_875 = arith.andi %ne3A_871, %ne3A_874 : i1
      %sub3A_876 = arith.constant 1 : i32
      %sub3A_877 = arith.subi %div3A_856, %sub3A_876 : i32
      %select_n3A_878 = arith.select %and3A_875, %sub3A_877, %div3A_856 : i32
      %jit3A_879 = arith.constant 8 : i32
      %div3A_880 = arith.divsi %add3A_854, %jit3A_879 : i32
      %sign3A_881 = arith.constant 0 : i32
      %sign3A_882 = arith.cmpi sgt, %add3A_854, %sign3A_881 : i32
      %sign3A_883 = arith.extui %sign3A_882 : i1 to i32
      %sign3A_884 = arith.constant 0 : i32
      %sign3A_885 = arith.cmpi slt, %add3A_854, %sign3A_884 : i32
      %sign3A_886 = arith.extui %sign3A_885 : i1 to i32
      %sign3A_887 = arith.subi %sign3A_883, %sign3A_886 : i32
      %sign3A_888 = arith.constant 0 : i32
      %sign3A_889 = arith.cmpi sgt, %jit3A_879, %sign3A_888 : i32
      %sign3A_890 = arith.extui %sign3A_889 : i1 to i32
      %sign3A_891 = arith.constant 0 : i32
      %sign3A_892 = arith.cmpi slt, %jit3A_879, %sign3A_891 : i32
      %sign3A_893 = arith.extui %sign3A_892 : i1 to i32
      %sign3A_894 = arith.subi %sign3A_890, %sign3A_893 : i32
      %ne3A_895 = arith.cmpi ne, %sign3A_887, %sign3A_894 : i32
      %rem3A_896 = arith.remsi %add3A_854, %jit3A_879 : i32
      %ne3A_897 = arith.constant 0 : i32
      %ne3A_898 = arith.cmpi ne, %rem3A_896, %ne3A_897 : i32
      %and3A_899 = arith.andi %ne3A_895, %ne3A_898 : i1
      %sub3A_900 = arith.constant 1 : i32
      %sub3A_901 = arith.subi %div3A_880, %sub3A_900 : i32
      %select_n3A_902 = arith.select %and3A_899, %sub3A_901, %div3A_880 : i32
      %jit3A_903 = arith.constant 32 : i32
      %eq3A_904 = arith.constant 0 : i32
      %eq3A_905 = arith.cmpi eq, %jit3A_903, %eq3A_904 : i32
      %jit3A_906 = arith.constant 1 : i32
      %select_n3A_907 = arith.select %eq3A_905, %jit3A_906, %jit3A_903 : i32
      %rem3A_908 = arith.remsi %select_n3A_902, %select_n3A_907 : i32
      %ne3A_909 = arith.constant 0 : i32
      %ne3A_910 = arith.cmpi ne, %rem3A_908, %ne3A_909 : i32
      %lt3A_911 = arith.constant 0 : i32
      %lt3A_912 = arith.cmpi slt, %rem3A_908, %lt3A_911 : i32
      %lt3A_913 = arith.constant 0 : i32
      %lt3A_914 = arith.cmpi slt, %select_n3A_907, %lt3A_913 : i32
      %ne3A_915 = arith.xori %lt3A_912, %lt3A_914 : i1
      %and3A_916 = arith.andi %ne3A_915, %ne3A_910 : i1
      %add3A_917 = arith.addi %rem3A_908, %select_n3A_907 : i32
      %select_n3A_918 = arith.select %and3A_916, %add3A_917, %rem3A_908 : i32
      %jit3A_919 = arith.constant 8 : i32
      %eq3A_920 = arith.constant 0 : i32
      %eq3A_921 = arith.cmpi eq, %jit3A_919, %eq3A_920 : i32
      %jit3A_922 = arith.constant 1 : i32
      %select_n3A_923 = arith.select %eq3A_921, %jit3A_922, %jit3A_919 : i32
      %rem3A_924 = arith.remsi %add3A_854, %select_n3A_923 : i32
      %ne3A_925 = arith.constant 0 : i32
      %ne3A_926 = arith.cmpi ne, %rem3A_924, %ne3A_925 : i32
      %lt3A_927 = arith.constant 0 : i32
      %lt3A_928 = arith.cmpi slt, %rem3A_924, %lt3A_927 : i32
      %lt3A_929 = arith.constant 0 : i32
      %lt3A_930 = arith.cmpi slt, %select_n3A_923, %lt3A_929 : i32
      %ne3A_931 = arith.xori %lt3A_928, %lt3A_930 : i1
      %and3A_932 = arith.andi %ne3A_931, %ne3A_926 : i1
      %add3A_933 = arith.addi %rem3A_924, %select_n3A_923 : i32
      %select_n3A_934 = arith.select %and3A_932, %add3A_933, %rem3A_924 : i32
      %mul3A_935 = arith.constant 128 : i32
      %mul3A_936 = arith.muli %select_n3A_918, %mul3A_935 : i32
      %mul3A_937 = arith.constant 8 : i32
      %mul3A_938 = arith.muli %mul3A_937, %select_n3A_878 : i32
      %add3A_939 = arith.addi %mul3A_938, %select_n3A_934 : i32
      %dma_start3A_940 = arith.constant 896 : i32
      %dma_start3A_941 = arith.constant 0 : i32
      %dma_start3A_942 = tpu.memref_slice %arg6[%dma_start3A_940, %dma_start3A_941] : memref<1024x64xf32, #tpu.memory_space<vmem>> -> memref<128x64xf32, #tpu.memory_space<vmem>>
      %dma_start3A_943 = arith.constant 0 : i32
      %dma_start3A_944 = tpu.memref_slice %arg4[%mul3A_936, %add3A_939, %dma_start3A_943] : memref<4096x200x64xf32, #tpu.memory_space<hbm>> -> memref<128x1x64xf32, #tpu.memory_space<hbm>>
      %dma_start3A_945 = tpu.memref_squeeze %dma_start3A_944 : memref<128x1x64xf32, #tpu.memory_space<hbm>> -> memref<128x64xf32, #tpu.memory_space<hbm>>
      %dma_start3A_946 = arith.constant 0 : i32
      %dma_start3A_947 = tpu.memref_slice %arg4[%mul3A_936, %add3A_939, %dma_start3A_946] : memref<4096x200x64xf32, #tpu.memory_space<hbm>> -> memref<128x1x64xf32, #tpu.memory_space<hbm>>
      %dma_start3A_948 = tpu.memref_squeeze %dma_start3A_947 : memref<128x1x64xf32, #tpu.memory_space<hbm>> -> memref<128x64xf32, #tpu.memory_space<hbm>>
      %dma_start3A_949 = arith.constant 896 : i32
      %dma_start3A_950 = arith.constant 0 : i32
      %dma_start3A_951 = tpu.memref_slice %arg6[%dma_start3A_949, %dma_start3A_950] : memref<1024x64xf32, #tpu.memory_space<vmem>> -> memref<128x64xf32, #tpu.memory_space<vmem>>
      tpu.enqueue_dma source(%dma_start3A_951 : memref<128x64xf32, #tpu.memory_space<vmem>>) target(%dma_start3A_948 : memref<128x64xf32, #tpu.memory_space<hbm>>) target_semaphore(%arg8 : memref<!tpu.dma_semaphore, #tpu.memory_space<semaphore_mem>>)
      %dma_wait3A_952 = arith.constant 0 : i32
      %dma_wait3A_953 = arith.constant 0 : i32
      %dma_wait3A_954 = tpu.memref_slice %arg6[%dma_wait3A_952, %dma_wait3A_953] : memref<1024x64xf32, #tpu.memory_space<vmem>> -> memref<128x64xf32, #tpu.memory_space<vmem>>
      %dma_wait3A_955 = arith.constant 0 : i32
      %dma_wait3A_956 = tpu.memref_slice %arg4[%mul3A_173, %add3A_176, %dma_wait3A_955] : memref<4096x200x64xf32, #tpu.memory_space<hbm>> -> memref<128x1x64xf32, #tpu.memory_space<hbm>>
      %dma_wait3A_957 = tpu.memref_squeeze %dma_wait3A_956 : memref<128x1x64xf32, #tpu.memory_space<hbm>> -> memref<128x64xf32, #tpu.memory_space<hbm>>
      %dma_wait3A_958 = arith.constant 0 : i32
      %dma_wait3A_959 = tpu.memref_slice %arg4[%mul3A_173, %add3A_176, %dma_wait3A_958] : memref<4096x200x64xf32, #tpu.memory_space<hbm>> -> memref<128x1x64xf32, #tpu.memory_space<hbm>>
      %dma_wait3A_960 = tpu.memref_squeeze %dma_wait3A_959 : memref<128x1x64xf32, #tpu.memory_space<hbm>> -> memref<128x64xf32, #tpu.memory_space<hbm>>
      %dma_wait3A_961 = arith.constant 0 : i32
      %dma_wait3A_962 = arith.constant 0 : i32
      %dma_wait3A_963 = tpu.memref_slice %arg6[%dma_wait3A_961, %dma_wait3A_962] : memref<1024x64xf32, #tpu.memory_space<vmem>> -> memref<128x64xf32, #tpu.memory_space<vmem>>
      tpu.wait_dma2 semaphore(%arg8 : memref<!tpu.dma_semaphore, #tpu.memory_space<semaphore_mem>>) src(%dma_wait3A_963 : memref<128x64xf32, #tpu.memory_space<vmem>>) dst(%dma_wait3A_960 : memref<128x64xf32, #tpu.memory_space<hbm>>)
      %dma_wait3A_964 = arith.constant 128 : i32
      %dma_wait3A_965 = arith.constant 0 : i32
      %dma_wait3A_966 = tpu.memref_slice %arg6[%dma_wait3A_964, %dma_wait3A_965] : memref<1024x64xf32, #tpu.memory_space<vmem>> -> memref<128x64xf32, #tpu.memory_space<vmem>>
      %dma_wait3A_967 = arith.constant 0 : i32
      %dma_wait3A_968 = tpu.memref_slice %arg4[%mul3A_282, %add3A_285, %dma_wait3A_967] : memref<4096x200x64xf32, #tpu.memory_space<hbm>> -> memref<128x1x64xf32, #tpu.memory_space<hbm>>
      %dma_wait3A_969 = tpu.memref_squeeze %dma_wait3A_968 : memref<128x1x64xf32, #tpu.memory_space<hbm>> -> memref<128x64xf32, #tpu.memory_space<hbm>>
      %dma_wait3A_970 = arith.constant 0 : i32
      %dma_wait3A_971 = tpu.memref_slice %arg4[%mul3A_282, %add3A_285, %dma_wait3A_970] : memref<4096x200x64xf32, #tpu.memory_space<hbm>> -> memref<128x1x64xf32, #tpu.memory_space<hbm>>
      %dma_wait3A_972 = tpu.memref_squeeze %dma_wait3A_971 : memref<128x1x64xf32, #tpu.memory_space<hbm>> -> memref<128x64xf32, #tpu.memory_space<hbm>>
      %dma_wait3A_973 = arith.constant 128 : i32
      %dma_wait3A_974 = arith.constant 0 : i32
      %dma_wait3A_975 = tpu.memref_slice %arg6[%dma_wait3A_973, %dma_wait3A_974] : memref<1024x64xf32, #tpu.memory_space<vmem>> -> memref<128x64xf32, #tpu.memory_space<vmem>>
      tpu.wait_dma2 semaphore(%arg8 : memref<!tpu.dma_semaphore, #tpu.memory_space<semaphore_mem>>) src(%dma_wait3A_975 : memref<128x64xf32, #tpu.memory_space<vmem>>) dst(%dma_wait3A_972 : memref<128x64xf32, #tpu.memory_space<hbm>>)
      %dma_wait3A_976 = arith.constant 256 : i32
      %dma_wait3A_977 = arith.constant 0 : i32
      %dma_wait3A_978 = tpu.memref_slice %arg6[%dma_wait3A_976, %dma_wait3A_977] : memref<1024x64xf32, #tpu.memory_space<vmem>> -> memref<128x64xf32, #tpu.memory_space<vmem>>
      %dma_wait3A_979 = arith.constant 0 : i32
      %dma_wait3A_980 = tpu.memref_slice %arg4[%mul3A_391, %add3A_394, %dma_wait3A_979] : memref<4096x200x64xf32, #tpu.memory_space<hbm>> -> memref<128x1x64xf32, #tpu.memory_space<hbm>>
      %dma_wait3A_981 = tpu.memref_squeeze %dma_wait3A_980 : memref<128x1x64xf32, #tpu.memory_space<hbm>> -> memref<128x64xf32, #tpu.memory_space<hbm>>
      %dma_wait3A_982 = arith.constant 0 : i32
      %dma_wait3A_983 = tpu.memref_slice %arg4[%mul3A_391, %add3A_394, %dma_wait3A_982] : memref<4096x200x64xf32, #tpu.memory_space<hbm>> -> memref<128x1x64xf32, #tpu.memory_space<hbm>>
      %dma_wait3A_984 = tpu.memref_squeeze %dma_wait3A_983 : memref<128x1x64xf32, #tpu.memory_space<hbm>> -> memref<128x64xf32, #tpu.memory_space<hbm>>
      %dma_wait3A_985 = arith.constant 256 : i32
      %dma_wait3A_986 = arith.constant 0 : i32
      %dma_wait3A_987 = tpu.memref_slice %arg6[%dma_wait3A_985, %dma_wait3A_986] : memref<1024x64xf32, #tpu.memory_space<vmem>> -> memref<128x64xf32, #tpu.memory_space<vmem>>
      tpu.wait_dma2 semaphore(%arg8 : memref<!tpu.dma_semaphore, #tpu.memory_space<semaphore_mem>>) src(%dma_wait3A_987 : memref<128x64xf32, #tpu.memory_space<vmem>>) dst(%dma_wait3A_984 : memref<128x64xf32, #tpu.memory_space<hbm>>)
      %dma_wait3A_988 = arith.constant 384 : i32
      %dma_wait3A_989 = arith.constant 0 : i32
      %dma_wait3A_990 = tpu.memref_slice %arg6[%dma_wait3A_988, %dma_wait3A_989] : memref<1024x64xf32, #tpu.memory_space<vmem>> -> memref<128x64xf32, #tpu.memory_space<vmem>>
      %dma_wait3A_991 = arith.constant 0 : i32
      %dma_wait3A_992 = tpu.memref_slice %arg4[%mul3A_500, %add3A_503, %dma_wait3A_991] : memref<4096x200x64xf32, #tpu.memory_space<hbm>> -> memref<128x1x64xf32, #tpu.memory_space<hbm>>
      %dma_wait3A_993 = tpu.memref_squeeze %dma_wait3A_992 : memref<128x1x64xf32, #tpu.memory_space<hbm>> -> memref<128x64xf32, #tpu.memory_space<hbm>>
      %dma_wait3A_994 = arith.constant 0 : i32
      %dma_wait3A_995 = tpu.memref_slice %arg4[%mul3A_500, %add3A_503, %dma_wait3A_994] : memref<4096x200x64xf32, #tpu.memory_space<hbm>> -> memref<128x1x64xf32, #tpu.memory_space<hbm>>
      %dma_wait3A_996 = tpu.memref_squeeze %dma_wait3A_995 : memref<128x1x64xf32, #tpu.memory_space<hbm>> -> memref<128x64xf32, #tpu.memory_space<hbm>>
      %dma_wait3A_997 = arith.constant 384 : i32
      %dma_wait3A_998 = arith.constant 0 : i32
      %dma_wait3A_999 = tpu.memref_slice %arg6[%dma_wait3A_997, %dma_wait3A_998] : memref<1024x64xf32, #tpu.memory_space<vmem>> -> memref<128x64xf32, #tpu.memory_space<vmem>>
      tpu.wait_dma2 semaphore(%arg8 : memref<!tpu.dma_semaphore, #tpu.memory_space<semaphore_mem>>) src(%dma_wait3A_999 : memref<128x64xf32, #tpu.memory_space<vmem>>) dst(%dma_wait3A_996 : memref<128x64xf32, #tpu.memory_space<hbm>>)
      %dma_wait3A_1000 = arith.constant 512 : i32
      %dma_wait3A_1001 = arith.constant 0 : i32
      %dma_wait3A_1002 = tpu.memref_slice %arg6[%dma_wait3A_1000, %dma_wait3A_1001] : memref<1024x64xf32, #tpu.memory_space<vmem>> -> memref<128x64xf32, #tpu.memory_space<vmem>>
      %dma_wait3A_1003 = arith.constant 0 : i32
      %dma_wait3A_1004 = tpu.memref_slice %arg4[%mul3A_609, %add3A_612, %dma_wait3A_1003] : memref<4096x200x64xf32, #tpu.memory_space<hbm>> -> memref<128x1x64xf32, #tpu.memory_space<hbm>>
      %dma_wait3A_1005 = tpu.memref_squeeze %dma_wait3A_1004 : memref<128x1x64xf32, #tpu.memory_space<hbm>> -> memref<128x64xf32, #tpu.memory_space<hbm>>
      %dma_wait3A_1006 = arith.constant 0 : i32
      %dma_wait3A_1007 = tpu.memref_slice %arg4[%mul3A_609, %add3A_612, %dma_wait3A_1006] : memref<4096x200x64xf32, #tpu.memory_space<hbm>> -> memref<128x1x64xf32, #tpu.memory_space<hbm>>
      %dma_wait3A_1008 = tpu.memref_squeeze %dma_wait3A_1007 : memref<128x1x64xf32, #tpu.memory_space<hbm>> -> memref<128x64xf32, #tpu.memory_space<hbm>>
      %dma_wait3A_1009 = arith.constant 512 : i32
      %dma_wait3A_1010 = arith.constant 0 : i32
      %dma_wait3A_1011 = tpu.memref_slice %arg6[%dma_wait3A_1009, %dma_wait3A_1010] : memref<1024x64xf32, #tpu.memory_space<vmem>> -> memref<128x64xf32, #tpu.memory_space<vmem>>
      tpu.wait_dma2 semaphore(%arg8 : memref<!tpu.dma_semaphore, #tpu.memory_space<semaphore_mem>>) src(%dma_wait3A_1011 : memref<128x64xf32, #tpu.memory_space<vmem>>) dst(%dma_wait3A_1008 : memref<128x64xf32, #tpu.memory_space<hbm>>)
      %dma_wait3A_1012 = arith.constant 640 : i32
      %dma_wait3A_1013 = arith.constant 0 : i32
      %dma_wait3A_1014 = tpu.memref_slice %arg6[%dma_wait3A_1012, %dma_wait3A_1013] : memref<1024x64xf32, #tpu.memory_space<vmem>> -> memref<128x64xf32, #tpu.memory_space<vmem>>
      %dma_wait3A_1015 = arith.constant 0 : i32
      %dma_wait3A_1016 = tpu.memref_slice %arg4[%mul3A_718, %add3A_721, %dma_wait3A_1015] : memref<4096x200x64xf32, #tpu.memory_space<hbm>> -> memref<128x1x64xf32, #tpu.memory_space<hbm>>
      %dma_wait3A_1017 = tpu.memref_squeeze %dma_wait3A_1016 : memref<128x1x64xf32, #tpu.memory_space<hbm>> -> memref<128x64xf32, #tpu.memory_space<hbm>>
      %dma_wait3A_1018 = arith.constant 0 : i32
      %dma_wait3A_1019 = tpu.memref_slice %arg4[%mul3A_718, %add3A_721, %dma_wait3A_1018] : memref<4096x200x64xf32, #tpu.memory_space<hbm>> -> memref<128x1x64xf32, #tpu.memory_space<hbm>>
      %dma_wait3A_1020 = tpu.memref_squeeze %dma_wait3A_1019 : memref<128x1x64xf32, #tpu.memory_space<hbm>> -> memref<128x64xf32, #tpu.memory_space<hbm>>
      %dma_wait3A_1021 = arith.constant 640 : i32
      %dma_wait3A_1022 = arith.constant 0 : i32
      %dma_wait3A_1023 = tpu.memref_slice %arg6[%dma_wait3A_1021, %dma_wait3A_1022] : memref<1024x64xf32, #tpu.memory_space<vmem>> -> memref<128x64xf32, #tpu.memory_space<vmem>>
      tpu.wait_dma2 semaphore(%arg8 : memref<!tpu.dma_semaphore, #tpu.memory_space<semaphore_mem>>) src(%dma_wait3A_1023 : memref<128x64xf32, #tpu.memory_space<vmem>>) dst(%dma_wait3A_1020 : memref<128x64xf32, #tpu.memory_space<hbm>>)
      %dma_wait3A_1024 = arith.constant 768 : i32
      %dma_wait3A_1025 = arith.constant 0 : i32
      %dma_wait3A_1026 = tpu.memref_slice %arg6[%dma_wait3A_1024, %dma_wait3A_1025] : memref<1024x64xf32, #tpu.memory_space<vmem>> -> memref<128x64xf32, #tpu.memory_space<vmem>>
      %dma_wait3A_1027 = arith.constant 0 : i32
      %dma_wait3A_1028 = tpu.memref_slice %arg4[%mul3A_827, %add3A_830, %dma_wait3A_1027] : memref<4096x200x64xf32, #tpu.memory_space<hbm>> -> memref<128x1x64xf32, #tpu.memory_space<hbm>>
      %dma_wait3A_1029 = tpu.memref_squeeze %dma_wait3A_1028 : memref<128x1x64xf32, #tpu.memory_space<hbm>> -> memref<128x64xf32, #tpu.memory_space<hbm>>
      %dma_wait3A_1030 = arith.constant 0 : i32
      %dma_wait3A_1031 = tpu.memref_slice %arg4[%mul3A_827, %add3A_830, %dma_wait3A_1030] : memref<4096x200x64xf32, #tpu.memory_space<hbm>> -> memref<128x1x64xf32, #tpu.memory_space<hbm>>
      %dma_wait3A_1032 = tpu.memref_squeeze %dma_wait3A_1031 : memref<128x1x64xf32, #tpu.memory_space<hbm>> -> memref<128x64xf32, #tpu.memory_space<hbm>>
      %dma_wait3A_1033 = arith.constant 768 : i32
      %dma_wait3A_1034 = arith.constant 0 : i32
      %dma_wait3A_1035 = tpu.memref_slice %arg6[%dma_wait3A_1033, %dma_wait3A_1034] : memref<1024x64xf32, #tpu.memory_space<vmem>> -> memref<128x64xf32, #tpu.memory_space<vmem>>
      tpu.wait_dma2 semaphore(%arg8 : memref<!tpu.dma_semaphore, #tpu.memory_space<semaphore_mem>>) src(%dma_wait3A_1035 : memref<128x64xf32, #tpu.memory_space<vmem>>) dst(%dma_wait3A_1032 : memref<128x64xf32, #tpu.memory_space<hbm>>)
      %dma_wait3A_1036 = arith.constant 896 : i32
      %dma_wait3A_1037 = arith.constant 0 : i32
      %dma_wait3A_1038 = tpu.memref_slice %arg6[%dma_wait3A_1036, %dma_wait3A_1037] : memref<1024x64xf32, #tpu.memory_space<vmem>> -> memref<128x64xf32, #tpu.memory_space<vmem>>
      %dma_wait3A_1039 = arith.constant 0 : i32
      %dma_wait3A_1040 = tpu.memref_slice %arg4[%mul3A_936, %add3A_939, %dma_wait3A_1039] : memref<4096x200x64xf32, #tpu.memory_space<hbm>> -> memref<128x1x64xf32, #tpu.memory_space<hbm>>
      %dma_wait3A_1041 = tpu.memref_squeeze %dma_wait3A_1040 : memref<128x1x64xf32, #tpu.memory_space<hbm>> -> memref<128x64xf32, #tpu.memory_space<hbm>>
      %dma_wait3A_1042 = arith.constant 0 : i32
      %dma_wait3A_1043 = tpu.memref_slice %arg4[%mul3A_936, %add3A_939, %dma_wait3A_1042] : memref<4096x200x64xf32, #tpu.memory_space<hbm>> -> memref<128x1x64xf32, #tpu.memory_space<hbm>>
      %dma_wait3A_1044 = tpu.memref_squeeze %dma_wait3A_1043 : memref<128x1x64xf32, #tpu.memory_space<hbm>> -> memref<128x64xf32, #tpu.memory_space<hbm>>
      %dma_wait3A_1045 = arith.constant 896 : i32
      %dma_wait3A_1046 = arith.constant 0 : i32
      %dma_wait3A_1047 = tpu.memref_slice %arg6[%dma_wait3A_1045, %dma_wait3A_1046] : memref<1024x64xf32, #tpu.memory_space<vmem>> -> memref<128x64xf32, #tpu.memory_space<vmem>>
      tpu.wait_dma2 semaphore(%arg8 : memref<!tpu.dma_semaphore, #tpu.memory_space<semaphore_mem>>) src(%dma_wait3A_1047 : memref<128x64xf32, #tpu.memory_space<vmem>>) dst(%dma_wait3A_1044 : memref<128x64xf32, #tpu.memory_space<hbm>>)
    }
    %scan3A_7 = arith.constant 25 : i32
    return
  }
}

</mosaic_0001>

<sc_bundles>
// kernel: kernel.3.cloned.1.call-start
scs
__scs_entry_jumppad:
0x0: {  	(pc) =	sbr.rel $0x88, $3  }
0x1: {  	(tag) =	ssettag $0x0;
	lr =	simm.s32 $0x1  }
0x2: {  	[smem:$0x3F9F] =	sst lr;
	_ =	strace $0xD0000000  }
0x3: {  	_ = 	snop  }
0x4: {  	_ = 	snop  }
0x5: {  	_ = 	snop  }
0x6: {  	_ = 	snop  }
0x7: {  	_ = 	snop  }
__scs_overlays_trampoline_lowered:
0x8: {  	[smem:$0x3FAE] =	sst s0  }
0x9: {  	[smem:$0x3FAF] =	sst s1  }
0xa: {  	[smem:$0x3FB0] =	sst s2  }
0xb: {  	[smem:$0x3FB1] =	sst s3  }
0xc: {  	[smem:$0x3FB2] =	sst s4  }
0xd: {  	[smem:$0x3FB3] =	sst s5  }
0xe: {  	[smem:$0x3FB4] =	sst s6  }
0xf: {  	[smem:$0x3FB5] =	sst s7  }
0x10: {  	[smem:$0x3FB6] =	sst s8  }
0x11: {  	[smem:$0x3FB7] =	sst s9;
	s0 =	simm.s32 @!p0 $0x0  }
0x12: {  	s1 =	sld [smem:$0x3F9D];
	s0 =	simm.s32 @p0 $0x1  }
0x13: {  	[smem:$0x3FB8] =	sst s0;
	s0 =	simm.s32 @!p1 $0x0  }
0x14: {  	s2 =	sld [smem:$0x3F9C];
	s0 =	simm.s32 @p1 $0x1  }
0x15: {  	[smem:$0x3FB9] =	sst s0;
	s0 =	simm.s32 @!p2 $0x0  }
0x16: {  	s3 =	sld [smem:$0x3FDB];
	s0 =	simm.s32 @p2 $0x1  }
0x17: {  	s4 =	simm.s32 $0x1BF5;
	[smem:$0x3FBB] =	sst s0  }
0x18: {  	s0 =	sld [smem:$0x3F9E];
	_ =	swait.ge [sflag:s4], $0x0  }
0x19: {  	s7 =	sld [smem:$0x3F9F]  }
0x1a: {  	s8 =	sadd.s32 $0xFFFFE003, lr  }
0x1b: {  	s9 =	sadd.s32 $0xFFFFFEF7, lr;
	s5 =	simm.s32 $0xFFFFFFFF;
	p2 =	slt.u32 s8, $0xFFFFF086  }
0x1c: {  	p1 =	slt.u32 s9, $0xF7A;
	s5 =	simm.s32 @!p2 $0x0  }
0x1d: {  	s5 =	simm.s32 @p1 $0x1;
	p0 =	seq.s32 s7, s2  }
0x1e: {  	s7 =	smul.u32 @!p0 $0xF7A, s2;
	p2 =	seq.s32 @!p0 s5, $0x0  }
0x1f: {  	s9 =	smul.u32 $0xF7A, s1;
	s8 =	simm.s32 @!p0 $0x1BF5;
	p2 =	por !p2, p0  }
0x20: {  	[sflag:s8] =	ssyncset.s32 @!p0 $0xFFFFF086;
	s6 =	sadd.s32 @!p0 s3, s7;
	s7 =	simm.s32 @!p0 $0x108  }
0x21: {  	s3 =	sadd.s32 s3, s9;
	s6 =	sadd.s32 @!p0 $0x88, s6;
	s7 =	simm.s32 @p2 $0x1082  }
0x22: {  	[simem:s7], [sflag:s8] =	dma.local @!p0 [hbm:s6], $0xF7A  }
0x23: {  	s9 =	sor.u32 $0xD0000000, s2;
	s6 =	simm.s32 $0x108;
	_ =	swait.ge @!p0 [sflag:s8], $0x0  }
0x24: {  	s3 =	sadd.s32 $0x88, s3;
	s6 =	simm.s32 @!p1 $0x1082;
	[sflag:s4] =	ssyncset.s32 $0xFFFFF086  }
0x25: {  	[simem:s6], [sflag:s4] =	dma.local [hbm:s3], $0xF7A  }
0x26: {  	[smem:$0x3F9F] =	sst s1;
	(tag) =	ssettag s2;
	_ =	strace s9  }
0x27: {  	s1 =	sld [smem:$0x3FAF]  }
0x28: {  	s2 =	sld [smem:$0x3FB0]  }
0x29: {  	s4 =	sld [smem:$0x3FB2]  }
0x2a: {  	p0 =	seq.s32 s5, $0x0;
	s5 =	sld [smem:$0x3FB3]  }
0x2b: {  	s6 =	sld [smem:$0x3FB4]  }
0x2c: {  	s7 =	sld [smem:$0x3FB5]  }
0x2d: {  	s3 =	simm.s32 $0x108;
	s8 =	sld [smem:$0x3FB6]  }
0x2e: {  	s3 =	simm.s32 @!p0 $0x1082;
	s9 =	sld [smem:$0x3FB7]  }
0x2f: {  	lr =	sadd.s32 s0, s3;
	s0 =	sld [smem:$0x3FAE]  }
0x30: {  	s3 =	sld [smem:$0x3FB1]  }
0x31: {  	[smem:$0x3FBA] =	sst s10  }
0x32: {  	s10 =	sld [smem:$0x3FB8];
	_ =	sdelay $0x3  }
0x33: {  	p0 =	seq.s32 s10, $0x1;
	s10 =	sld [smem:$0x3FBA];
	_ =	sdelay $0x3  }
0x34: {  	[smem:$0x3FBA] =	sst s10  }
0x35: {  	s10 =	sld [smem:$0x3FB9];
	_ =	sdelay $0x3  }
0x36: {  	p1 =	seq.s32 s10, $0x1;
	s10 =	sld [smem:$0x3FBA];
	_ =	sdelay $0x3  }
0x37: {  	[smem:$0x3FBA] =	sst s10  }
0x38: {  	s10 =	sld [smem:$0x3FBB]  }
0x39: {  	_ = 	snop;
	(pc) =	sbr.ind lr, $3  }
0x3a: {  	_ = 	snop  }
0x3b: {  	_ = 	snop  }
0x3c: {  	p2 =	seq.s32 s10, $0x1;
	s10 =	sld [smem:$0x3FBA]  }
0x3d: {  	_ =	shalt  }
0x3e: {  	_ =	shalt  }
0x3f: {  	_ =	shalt  }
0x40: {  	_ =	shalt  }
0x41: {  	_ =	shalt  }
0x42: {  	_ =	shalt  }
0x43: {  	_ =	shalt  }
0x44: {  	_ =	shalt  }
0x45: {  	_ =	shalt  }
0x46: {  	_ =	shalt  }
0x47: {  	_ =	shalt  }
0x48: {  	_ =	shalt  }
0x49: {  	_ =	shalt  }
0x4a: {  	_ =	shalt  }
0x4b: {  	_ =	shalt  }
0x4c: {  	_ =	shalt  }
0x4d: {  	_ =	shalt  }
0x4e: {  	_ =	shalt  }
0x4f: {  	_ =	shalt  }
0x50: {  	_ =	shalt  }
0x51: {  	_ =	shalt  }
0x52: {  	_ =	shalt  }
0x53: {  	_ =	shalt  }
0x54: {  	_ =	shalt  }
0x55: {  	_ =	shalt  }
0x56: {  	_ =	shalt  }
0x57: {  	_ =	shalt  }
0x58: {  	_ =	shalt  }
0x59: {  	_ =	shalt  }
0x5a: {  	_ =	shalt  }
0x5b: {  	_ =	shalt  }
0x5c: {  	_ =	shalt  }
0x5d: {  	_ =	shalt  }
0x5e: {  	_ =	shalt  }
0x5f: {  	_ =	shalt  }
0x60: {  	_ =	shalt  }
0x61: {  	_ =	shalt  }
0x62: {  	_ =	shalt  }
0x63: {  	_ =	shalt  }
0x64: {  	_ =	shalt  }
0x65: {  	_ =	shalt  }
0x66: {  	_ =	shalt  }
0x67: {  	_ =	shalt  }
0x68: {  	_ =	shalt  }
0x69: {  	_ =	shalt  }
0x6a: {  	_ =	shalt  }
0x6b: {  	_ =	shalt  }
0x6c: {  	_ =	shalt  }
0x6d: {  	_ =	shalt  }
0x6e: {  	_ =	shalt  }
0x6f: {  	_ =	shalt  }
0x70: {  	_ =	shalt  }
0x71: {  	_ =	shalt  }
0x72: {  	_ =	shalt  }
0x73: {  	_ =	shalt  }
0x74: {  	_ =	shalt  }
0x75: {  	_ =	shalt  }
0x76: {  	_ =	shalt  }
0x77: {  	_ =	shalt  }
0x78: {  	_ =	shalt  }
0x79: {  	_ =	shalt  }
0x7a: {  	_ =	shalt  }
0x7b: {  	_ =	shalt  }
0x7c: {  	_ =	shalt  }
0x7d: {  	_ =	shalt  }
0x7e: {  	_ =	shalt  }
0x7f: {  	_ =	shalt  }
0x80: {  	_ =	shalt  }
0x81: {  	_ =	shalt  }
0x82: {  	_ =	shalt  }
0x83: {  	_ =	shalt  }
0x84: {  	_ =	shalt  }
0x85: {  	_ =	shalt  }
0x86: {  	_ =	shalt  }
0x87: {  	_ =	shalt  }
.Lfunc_end0:
.L_simem_size_0:
called_computation.1_lowered:
.L_overlay_start_0:
0x88: {  	s2 =	sld [smem:$0x3FD9]  }
0x89: {  	s3 =	sld [smem:$0x3FFE];
	_ =	sdelay $0x1  }
0x8a: {  	s1 =	srdreg.scid  }
0x8b: {  	s0 =	sand.u32 $0x1, s1  }
0x8c: {  	s17 =	sshll.u32 s0, $0xA;
	s2 =	sadd.s32 s3, s2  }
0x8d: {  	s2 =	sadd.s32 s2, s17  }
0x8e: {  	[smem:$0x3FC6] =	sst s2  }
0x8f: {  	_ = 	snop  }
0x90: {  	s2 =	sld [smem:$0x3FC9]  }
0x91: {  	s18 =	sld [smem:$0x3FD0];
	(tm) =	ssettm $0x1  }
0x92: {  	s4 =	sld [smem:$0x3FFB];
	_ =	sdelay $0x3  }
0x93: {  	_ =	strace s4  }
0x94: {  	s4 =	sld [smem:$0x3FFC];
	_ =	sdelay $0x3  }
0x95: {  	_ =	strace s4  }
0x96: {  	s4 =	sld [smem:$0x3FFD];
	_ =	sdelay $0x3  }
0x97: {  	_ =	strace s4  }
0x98: {  	_ =	strace $0x8FFFFFFF  }
0x99: {  	s19 =	sld [smem:$0x3FDB];
	_ =	sdelay $0x1  }
0x9a: {  	s5 =	simm.s32 $_scs_section_size  }
0x9b: {  	s6 =	simm.s32 $_size__tile_overlayer_lowered;
	s7 =	simm.s32 $_tile_overlayer_lowered  }
0x9c: {  	s22 =	simm.s32 $0x1BFF;
	s21 =	sshll.u32 s7, $0x1;
	s4 =	sadd.s32 s5, s19  }
0x9d: {  	s8 =	simm.s32 $0x0;
	s20 =	sshll.u32 s6, $0x1;
	s6 =	sadd.s32 s21, s4  }
0x9e: {  	[timem:s8], [sflag:s22] =	dma.local [hbm:s6], s20  }
0x9f: {  	_ =	swait.ge [sflag:s22], s20  }
0xa0: {  	s5 =	ssub.s32 $0x0, s20;
	[sflag:s22] =	ssyncset.done $0x0  }
0xa1: {  	[sflag:s22] =	ssyncadd.s32 s5;
	_ =	sdelay $0x1  }
0xa2: {  	s23 =	simm.s32 $0x1B8B  }
0xa3: {  	_ =	swait.ge [sflag:s23], $0x1  }
0xa4: {  	[sflag:s23] =	ssyncset.done $0x0  }
0xa5: {  	s25 =	simm.s32 $0x1B8E;
	s24 =	sld [smem:$0x3FFE];
	[sflag:s23] =	ssyncadd.s32 $0xFFFFFFFF  }
0xa6: {  	s26 =	simm.s32 $execute0_lowered;
	[smem:$0x3FD2] =	sst s25  }
0xa7: {  	s6 =	sshll.u32 s26, $0x1;
	_ =	strace $0x80000046;
	[dreg:$0x1] =	wrdreg $0xFFFFFFFF  }
0xa8: {  	s28 =	simm.s32 $_size_execute0_lowered;
	s4 =	sadd.s32 s4, s6;
	[dreg:$0x0] =	wrdreg $0x0  }
0xa9: {  	s6 =	sshll.u32 s28, $0x1;
	[dreg:$0x2] =	wrdreg s4  }
0xaa: {  	[dreg:$0x3] =	wrdreg s6  }
0xab: {  	[dreg:$0x4] =	wrdreg $0xC0  }
0xac: {  	_ =	task [dreg:s8], $0x5FFFF  }
0xad: {  	[dreg:$0x1] =	wrdreg $0xFFFFFFFF  }
0xae: {  	[dreg:$0x0] =	wrdreg $0x60  }
0xaf: {  	[dreg:$0x2] =	wrdreg s2  }
0xb0: {  	[dreg:$0x3] =	wrdreg s24  }
0xb1: {  	[dreg:$0x4] =	wrdreg s18  }
0xb2: {  	[dreg:$0x5] =	wrdreg $0x9  }
0xb3: {  	_ =	task.clear_ibuf [dreg:s8], $0x6FFFF;
	_ =	strace $0x90000046  }
0xb4: {  	s29 =	simm.s32 $0x9;
	_ =	strace $0x80000048  }
0xb5: {  	_ =	swait.ge [sflag:s29], $0x1  }
0xb6: {  	[sflag:s29] =	ssyncadd.s32 $0xFFFFFFFF  }
0xb7: {  	_ =	strace $0x90000048  }
0xb8: {  	_ =	sfence  }
0xb9: {  	s30 =	sld [smem:$0x0];
	_ =	sdelay $0x2  }
0xba: {  	s31 =	sshll.u32 s1, $0xD;
	s1 =	sshrl.u32 s1, $0x2  }
0xbb: {  	s3 =	sand.u32 $0x4000, s31;
	s1 =	sadd.s32 s1, s30  }
0xbc: {  	s0 =	sor.u32 s3, s0;
	s1 =	sshll.u32 s1, $0x11  }
0xbd: {  	s0 =	sor.u32 s1, s0  }
0xbe: {  	s0 =	sadd.s32 $0x8F2B, s0  }
0xbf: {  	[sflag:s0] =	ssyncadd.remote.s32 $0x1  }
0xc0: {  	_ =	sfence.sel $0xFFFF  }
0xc1: {  	[dreg:$0x0] =	wrdreg $0xFFFFFFFF;
	(pc) =	sbr.abs _section_cstart, $3  }
0xc2: {  	[dreg:$0x1] =	wrdreg $0xFFFFFFFF  }
0xc3: {  	_ =	task.clear_ibuf [dreg:s8], $0x2FFFF;
	_ =	strace $0x9FFFFFFF  }
0xc4: {  	(tm) =	ssettm $0x7FFFFFFF  }
0xc5: {  	_ =	shalt  }
tec
execute0_lowered:
.L_overlay_start_1:
0x0: {  	(tag) =	ssettag $0x1  }
0x1: {  	s0 =	rddreg [dreg:$0x0]  }
0x2: {  	s4 =	rddreg [dreg:$0x1]  }
0x3: {  	s1 =	srdreg.scid;
	s2 =	rddreg [dreg:$0x2];
	s3 =	simm.s32 $0x0  }
0x4: {  	s30 =	simm.s32 $0x100;
	s31 =	simm.s32 $0x180;
	s12 =	simm.s32 $0x200  }
0x5: {  	s13 =	simm.s32 $0x280;
	s14 =	simm.s32 $0x300;
	s16 =	simm.s32 $0x380  }
0x6: {  	s15 =	simm.s32 $0xC400;
	s17 =	simm.s32 $0x1;
	s18 =	simm.s32 $0x40  }
0x7: {  	s19 =	simm.s32 $0x3200;
	s20 =	simm.s32 $0x2;
	[dreg:$0x4] =	wrdreg s0  }
0x8: {  	s0 =	stileid.u32;
	s5 =	sand.u32 $0x1, s1;
	s1 =	rddreg [dreg:$0x3]  }
0x9: {  	s21 =	simm.s32 $0x0;
	[smem:$0x7FF] =	sst s3;
	s6 =	smul.u32 $0x320, s0  }
0xa: {  	s7 =	smul.u32 $0x190, s5;
	_ =	strace $0x80000047;
	[dreg:$0x6] =	wrdreg s30  }
0xb: {  	s4 =	sadd.s32 $0xF42C00, s4;
	s9 =	smul.u32 $0x1900, s0;
	[dreg:$0x7] =	wrdreg s31  }
0xc: {  	s8 =	ssub.s32 $0x2, s5;
	s11 =	smul.u32 $0xC80, s5;
	[dreg:$0x8] =	wrdreg s12  }
0xd: {  	s12 =	simm.s32 $0x6400;
	[dreg:$0x9] =	wrdreg s13;
	s13 =	simm.s32 $0x8400  }
0xe: {  	[dreg:$0xa] =	wrdreg s14;
	s14 =	simm.s32 $0xA400;
	s10 =	sshrl.u32 s8, $0x1  }
0xf: {  	[dreg:$0xb] =	wrdreg s16;
	s16 =	simm.s32 $0xE400;
	s29 =	ssub.s32 s8, s10  }
0x10: {  	s6 =	sadd.s32 s7, s6;
	s7 =	simm.s32 $0x3;
	s8 =	simm.s32 $0x80  }
0x11: {  	s10 =	simm.s32 $0x2400;
	s5 =	smax.u32 s29, $0x1;
	[dreg:$0x5] =	wrdreg s6  }
0x12: {  	s6 =	sadd.s32 s11, s9;
	s9 =	simm.s32 $0x400;
	s11 =	simm.s32 $0x4400  }
.LBB2_1:
0x13: {  	s22 =	rddreg [dreg:$0x4]  }
0x14: {  	s22 =	sadd.s32 s6, s22  }
0x15: {  	[tilespmem:s3], [sflag:$0x3] =	stream.linear.gather [hbm4b:s22+s3], $0x400, $0x38;
	[tilespmem:$0x10400] =	vst v63  }
0x16: {  	_ =	swait.ge [sflag:s7], $0x400  }
0x17: {  	[sflag:s7] =	ssyncset.done $0x0  }
0x18: {  	[sflag:s7] =	ssyncadd.s32 $0xFFFFFC00  }
0x19: {  	[tilespmem:s9], [sflag:$0x1] =	stream.indirect.gather [hbm4b:s4+s8], $0x40, s3, s8, $0xb8;
	[tilespmem:$0x10400] =	vst v63  }
0x1a: {  	_ = 	snop  }
0x1b: {  	[tilespmem:s10], [sflag:$0x1] =	stream.indirect.gather [hbm4b:s4+s8], $0x40, s8, s8, $0xb8;
	[tilespmem:$0x10400] =	vst v63  }
0x1c: {  	s25 =	rddreg [dreg:$0x6]  }
0x1d: {  	[tilespmem:s11], [sflag:$0x1] =	stream.indirect.gather [hbm4b:s4+s8], $0x40, s25, s8, $0xb8;
	[tilespmem:$0x10400] =	vst v63  }
0x1e: {  	s23 =	rddreg [dreg:$0x7]  }
0x1f: {  	[tilespmem:s12], [sflag:$0x1] =	stream.indirect.gather [hbm4b:s4+s8], $0x40, s23, s8, $0xb8;
	[tilespmem:$0x10400] =	vst v63  }
0x20: {  	s26 =	rddreg [dreg:$0x8]  }
0x21: {  	[tilespmem:s13], [sflag:$0x1] =	stream.indirect.gather [hbm4b:s4+s8], $0x40, s26, s8, $0xb8;
	[tilespmem:$0x10400] =	vst v63  }
0x22: {  	s28 =	rddreg [dreg:$0x9]  }
0x23: {  	[tilespmem:s14], [sflag:$0x1] =	stream.indirect.gather [hbm4b:s4+s8], $0x40, s28, s8, $0xb8;
	[tilespmem:$0x10400] =	vst v63  }
0x24: {  	s29 =	rddreg [dreg:$0xa]  }
0x25: {  	[tilespmem:s15], [sflag:$0x1] =	stream.indirect.gather [hbm4b:s4+s8], $0x40, s29, s8, $0xb8;
	[tilespmem:$0x10400] =	vst v63  }
0x26: {  	s30 =	rddreg [dreg:$0xb]  }
0x27: {  	[tilespmem:s16], [sflag:$0x1] =	stream.indirect.gather [hbm4b:s4+s8], $0x40, s30, s8, $0xb8;
	[tilespmem:$0x10400] =	vst v63  }
0x28: {  	_ =	swait.ge [sflag:s17], $0x2000  }
0x29: {  	s24 =	sand.u32 $0xF80, s6;
	s31 =	rddreg [dreg:$0x5]  }
0x2a: {  	s23 =	smul.u32 $0x3200, s24;
	s22 =	sadd.s32 $0x0, s31  }
0x2b: {  	s22 =	sand.u32 $0x7FFFFE00, s22  }
0x2c: {  	s22 =	sadd.s32 s22, s23  }
0x2d: {  	[sflag:s17] =	ssyncset.done $0x0;
	s23 =	sshrl.u32 s22, $0x3  }
0x2e: {  	[sflag:s17] =	ssyncadd.s32 $0xFFFFE000;
	s23 =	sadd.s32 s2, s23  }
0x2f: {  	[hbm4b:s23+s18] =	stream.strided.scatter [tilespmem:s9], [sflag:$0x2], $0x2000, s19, s18, $0x38;
	[tilespmem:$0x10400] =	vst v63  }
0x30: {  	s25 =	sor.u32 $0x40, s22;
	_ =	swait.ge [sflag:s17], $0x2000  }
0x31: {  	s23 =	sshrl.u32 s25, $0x3;
	[sflag:s17] =	ssyncset.done $0x0  }
0x32: {  	s23 =	sadd.s32 s2, s23;
	[sflag:s17] =	ssyncadd.s32 $0xFFFFE000  }
0x33: {  	[hbm4b:s23+s18] =	stream.strided.scatter [tilespmem:s10], [sflag:$0x2], $0x2000, s19, s18, $0x38;
	[tilespmem:$0x10400] =	vst v63  }
0x34: {  	s26 =	sor.u32 $0x80, s22;
	_ =	swait.ge [sflag:s17], $0x2000  }
0x35: {  	s23 =	sshrl.u32 s26, $0x3;
	[sflag:s17] =	ssyncset.done $0x0  }
0x36: {  	s23 =	sadd.s32 s2, s23;
	[sflag:s17] =	ssyncadd.s32 $0xFFFFE000  }
0x37: {  	[hbm4b:s23+s18] =	stream.strided.scatter [tilespmem:s11], [sflag:$0x2], $0x2000, s19, s18, $0x38;
	[tilespmem:$0x10400] =	vst v63  }
0x38: {  	s28 =	sor.u32 $0xC0, s22;
	_ =	swait.ge [sflag:s17], $0x2000  }
0x39: {  	s23 =	sshrl.u32 s28, $0x3;
	[sflag:s17] =	ssyncset.done $0x0  }
0x3a: {  	s23 =	sadd.s32 s2, s23;
	[sflag:s17] =	ssyncadd.s32 $0xFFFFE000  }
0x3b: {  	[hbm4b:s23+s18] =	stream.strided.scatter [tilespmem:s12], [sflag:$0x2], $0x2000, s19, s18, $0x38;
	[tilespmem:$0x10400] =	vst v63  }
0x3c: {  	s29 =	sor.u32 $0x100, s22;
	_ =	swait.ge [sflag:s17], $0x2000  }
0x3d: {  	s23 =	sshrl.u32 s29, $0x3;
	[sflag:s17] =	ssyncset.done $0x0  }
0x3e: {  	s23 =	sadd.s32 s2, s23;
	[sflag:s17] =	ssyncadd.s32 $0xFFFFE000  }
0x3f: {  	[hbm4b:s23+s18] =	stream.strided.scatter [tilespmem:s13], [sflag:$0x2], $0x2000, s19, s18, $0x38;
	[tilespmem:$0x10400] =	vst v63  }
0x40: {  	s30 =	sor.u32 $0x140, s22;
	_ =	swait.ge [sflag:s17], $0x2000  }
0x41: {  	s23 =	sshrl.u32 s30, $0x3;
	[sflag:s17] =	ssyncset.done $0x0  }
0x42: {  	s23 =	sadd.s32 s2, s23;
	[sflag:s17] =	ssyncadd.s32 $0xFFFFE000  }
0x43: {  	[hbm4b:s23+s18] =	stream.strided.scatter [tilespmem:s14], [sflag:$0x2], $0x2000, s19, s18, $0x38;
	[tilespmem:$0x10400] =	vst v63  }
0x44: {  	s31 =	sor.u32 $0x180, s22;
	_ =	swait.ge [sflag:s17], $0x2000  }
0x45: {  	s23 =	sshrl.u32 s31, $0x3;
	[sflag:s17] =	ssyncset.done $0x0  }
0x46: {  	s23 =	sadd.s32 s2, s23;
	[sflag:s17] =	ssyncadd.s32 $0xFFFFE000  }
0x47: {  	[hbm4b:s23+s18] =	stream.strided.scatter [tilespmem:s15], [sflag:$0x2], $0x2000, s19, s18, $0x38;
	[tilespmem:$0x10400] =	vst v63  }
0x48: {  	s22 =	sor.u32 $0x1C0, s22;
	_ =	swait.ge [sflag:s17], $0x2000  }
0x49: {  	s22 =	sshrl.u32 s22, $0x3;
	[sflag:s17] =	ssyncset.done $0x0  }
0x4a: {  	s22 =	sadd.s32 s2, s22;
	[sflag:s17] =	ssyncadd.s32 $0xFFFFE000  }
0x4b: {  	[hbm4b:s22+s18] =	stream.strided.scatter [tilespmem:s16], [sflag:$0x2], $0x2000, s19, s18, $0x38;
	[tilespmem:$0x10400] =	vst v63  }
0x4c: {  	_ =	swait.ge [sflag:s20], $0x2000  }
0x4d: {  	[sflag:s20] =	ssyncset.done $0x0  }
0x4e: {  	[sflag:s20] =	ssyncadd.s32 $0xFFFFE000  }
0x4f: {  	_ =	swait.ge [sflag:s20], $0x2000  }
0x50: {  	[sflag:s20] =	ssyncset.done $0x0  }
0x51: {  	[sflag:s20] =	ssyncadd.s32 $0xFFFFE000  }
0x52: {  	_ =	swait.ge [sflag:s20], $0x2000  }
0x53: {  	[sflag:s20] =	ssyncset.done $0x0  }
0x54: {  	[sflag:s20] =	ssyncadd.s32 $0xFFFFE000  }
0x55: {  	_ =	swait.ge [sflag:s20], $0x2000  }
0x56: {  	[sflag:s20] =	ssyncset.done $0x0  }
0x57: {  	[sflag:s20] =	ssyncadd.s32 $0xFFFFE000  }
0x58: {  	_ =	swait.ge [sflag:s20], $0x2000  }
0x59: {  	[sflag:s20] =	ssyncset.done $0x0  }
0x5a: {  	[sflag:s20] =	ssyncadd.s32 $0xFFFFE000  }
0x5b: {  	_ =	swait.ge [sflag:s20], $0x2000  }
0x5c: {  	[sflag:s20] =	ssyncset.done $0x0  }
0x5d: {  	[sflag:s20] =	ssyncadd.s32 $0xFFFFE000  }
0x5e: {  	_ =	swait.ge [sflag:s20], $0x2000  }
0x5f: {  	[sflag:s20] =	ssyncset.done $0x0  }
0x60: {  	[sflag:s20] =	ssyncadd.s32 $0xFFFFE000  }
0x61: {  	s24 =	smov.u32 s6;
	s23 =	simm.s32 $0x20;
	_ =	swait.ge [sflag:s20], $0x2000  }
0x62: {  	s22 =	simm.s32 $0x10;
	s25 =	rddreg [dreg:$0x4];
	[sflag:s20] =	ssyncset.done $0x0  }
.LBB2_2:
0x63: {  	s24 =	sadd.s32 $0x80, s24  }
0x64: {  	[sflag:s20] =	ssyncadd.s32 $0xFFFFE000;
	s25 =	sadd.s32 s24, s25  }
0x65: {  	[tilespmem:s3], [sflag:$0x3] =	stream.linear.gather [hbm4b:s25+s3], $0x400, $0x38;
	[tilespmem:$0x10400] =	vst v63  }
0x66: {  	_ =	swait.ge [sflag:s7], $0x400  }
0x67: {  	[sflag:s7] =	ssyncset.done $0x0  }
0x68: {  	[sflag:s7] =	ssyncadd.s32 $0xFFFFFC00  }
0x69: {  	[tilespmem:s9], [sflag:$0x1] =	stream.indirect.gather [hbm4b:s4+s8], $0x40, s3, s8, $0xb8;
	[tilespmem:$0x10400] =	vst v63  }
0x6a: {  	_ = 	snop  }
0x6b: {  	[tilespmem:s10], [sflag:$0x1] =	stream.indirect.gather [hbm4b:s4+s8], $0x40, s8, s8, $0xb8;
	[tilespmem:$0x10400] =	vst v63  }
0x6c: {  	s31 =	rddreg [dreg:$0x6]  }
0x6d: {  	[tilespmem:s11], [sflag:$0x1] =	stream.indirect.gather [hbm4b:s4+s8], $0x40, s31, s8, $0xb8;
	[tilespmem:$0x10400] =	vst v63  }
0x6e: {  	s28 =	rddreg [dreg:$0x7]  }
0x6f: {  	[tilespmem:s12], [sflag:$0x1] =	stream.indirect.gather [hbm4b:s4+s8], $0x40, s28, s8, $0xb8;
	[tilespmem:$0x10400] =	vst v63  }
0x70: {  	s29 =	rddreg [dreg:$0x8]  }
0x71: {  	[tilespmem:s13], [sflag:$0x1] =	stream.indirect.gather [hbm4b:s4+s8], $0x40, s29, s8, $0xb8;
	[tilespmem:$0x10400] =	vst v63  }
0x72: {  	s30 =	rddreg [dreg:$0x9]  }
0x73: {  	[tilespmem:s14], [sflag:$0x1] =	stream.indirect.gather [hbm4b:s4+s8], $0x40, s30, s8, $0xb8;
	[tilespmem:$0x10400] =	vst v63  }
0x74: {  	s31 =	rddreg [dreg:$0xa]  }
0x75: {  	[tilespmem:s15], [sflag:$0x1] =	stream.indirect.gather [hbm4b:s4+s8], $0x40, s31, s8, $0xb8;
	[tilespmem:$0x10400] =	vst v63  }
0x76: {  	s29 =	rddreg [dreg:$0xb]  }
0x77: {  	[tilespmem:s16], [sflag:$0x1] =	stream.indirect.gather [hbm4b:s4+s8], $0x40, s29, s8, $0xb8;
	[tilespmem:$0x10400] =	vst v63  }
0x78: {  	_ =	swait.ge [sflag:s17], $0x2000  }
0x79: {  	s31 =	sand.u32 $0xF80, s24;
	s30 =	rddreg [dreg:$0x5]  }
0x7a: {  	s28 =	smul.u32 $0x3200, s31;
	s25 =	sadd.s32 s22, s30  }
0x7b: {  	s25 =	sand.u32 $0x7FFFFE00, s25  }
0x7c: {  	s25 =	sadd.s32 s25, s28  }
0x7d: {  	s26 =	smov.u32 s23;
	[sflag:s17] =	ssyncset.done $0x0;
	s29 =	sshrl.u32 s25, $0x3  }
0x7e: {  	s22 =	smov.u32 s26;
	[sflag:s17] =	ssyncadd.s32 $0xFFFFE000;
	s26 =	sadd.s32 s2, s29  }
0x7f: {  	[hbm4b:s26+s18] =	stream.strided.scatter [tilespmem:s9], [sflag:$0x2], $0x2000, s19, s18, $0x38;
	[tilespmem:$0x10400] =	vst v63  }
0x80: {  	s28 =	sor.u32 $0x40, s25;
	_ =	swait.ge [sflag:s17], $0x2000  }
0x81: {  	s28 =	sshrl.u32 s28, $0x3;
	[sflag:s17] =	ssyncset.done $0x0  }
0x82: {  	s28 =	sadd.s32 s2, s28;
	[sflag:s17] =	ssyncadd.s32 $0xFFFFE000  }
0x83: {  	[hbm4b:s28+s18] =	stream.strided.scatter [tilespmem:s10], [sflag:$0x2], $0x2000, s19, s18, $0x38;
	[tilespmem:$0x10400] =	vst v63  }
0x84: {  	s30 =	sor.u32 $0x80, s25;
	_ =	swait.ge [sflag:s17], $0x2000  }
0x85: {  	s26 =	sshrl.u32 s30, $0x3;
	[sflag:s17] =	ssyncset.done $0x0  }
0x86: {  	s26 =	sadd.s32 s2, s26;
	[sflag:s17] =	ssyncadd.s32 $0xFFFFE000  }
0x87: {  	[hbm4b:s26+s18] =	stream.strided.scatter [tilespmem:s11], [sflag:$0x2], $0x2000, s19, s18, $0x38;
	[tilespmem:$0x10400] =	vst v63  }
0x88: {  	s29 =	sor.u32 $0xC0, s25;
	_ =	swait.ge [sflag:s17], $0x2000  }
0x89: {  	s29 =	sshrl.u32 s29, $0x3;
	[sflag:s17] =	ssyncset.done $0x0  }
0x8a: {  	s29 =	sadd.s32 s2, s29;
	[sflag:s17] =	ssyncadd.s32 $0xFFFFE000  }
0x8b: {  	[hbm4b:s29+s18] =	stream.strided.scatter [tilespmem:s12], [sflag:$0x2], $0x2000, s19, s18, $0x38;
	[tilespmem:$0x10400] =	vst v63  }
0x8c: {  	s30 =	sor.u32 $0x100, s25;
	_ =	swait.ge [sflag:s17], $0x2000  }
0x8d: {  	s28 =	sshrl.u32 s30, $0x3;
	[sflag:s17] =	ssyncset.done $0x0  }
0x8e: {  	s29 =	sadd.s32 s2, s28;
	[sflag:s17] =	ssyncadd.s32 $0xFFFFE000  }
0x8f: {  	[hbm4b:s29+s18] =	stream.strided.scatter [tilespmem:s13], [sflag:$0x2], $0x2000, s19, s18, $0x38;
	[tilespmem:$0x10400] =	vst v63  }
0x90: {  	s31 =	sor.u32 $0x140, s25;
	_ =	swait.ge [sflag:s17], $0x2000  }
0x91: {  	s30 =	sshrl.u32 s31, $0x3;
	[sflag:s17] =	ssyncset.done $0x0  }
0x92: {  	s30 =	sadd.s32 s2, s30;
	[sflag:s17] =	ssyncadd.s32 $0xFFFFE000  }
0x93: {  	[hbm4b:s30+s18] =	stream.strided.scatter [tilespmem:s14], [sflag:$0x2], $0x2000, s19, s18, $0x38;
	[tilespmem:$0x10400] =	vst v63  }
0x94: {  	s31 =	sor.u32 $0x180, s25;
	_ =	swait.ge [sflag:s17], $0x2000  }
0x95: {  	s31 =	sshrl.u32 s31, $0x3;
	[sflag:s17] =	ssyncset.done $0x0  }
0x96: {  	s31 =	sadd.s32 s2, s31;
	[sflag:s17] =	ssyncadd.s32 $0xFFFFE000  }
0x97: {  	[hbm4b:s31+s18] =	stream.strided.scatter [tilespmem:s15], [sflag:$0x2], $0x2000, s19, s18, $0x38;
	[tilespmem:$0x10400] =	vst v63  }
0x98: {  	s25 =	sor.u32 $0x1C0, s25;
	_ =	swait.ge [sflag:s17], $0x2000  }
0x99: {  	s25 =	sshrl.u32 s25, $0x3;
	[sflag:s17] =	ssyncset.done $0x0  }
0x9a: {  	s25 =	sadd.s32 s2, s25;
	[sflag:s17] =	ssyncadd.s32 $0xFFFFE000  }
0x9b: {  	[hbm4b:s25+s18] =	stream.strided.scatter [tilespmem:s16], [sflag:$0x2], $0x2000, s19, s18, $0x38;
	[tilespmem:$0x10400] =	vst v63  }
0x9c: {  	_ =	swait.ge [sflag:s20], $0x2000  }
0x9d: {  	[sflag:s20] =	ssyncset.done $0x0  }
0x9e: {  	[sflag:s20] =	ssyncadd.s32 $0xFFFFE000  }
0x9f: {  	_ =	swait.ge [sflag:s20], $0x2000  }
0xa0: {  	[sflag:s20] =	ssyncset.done $0x0  }
0xa1: {  	[sflag:s20] =	ssyncadd.s32 $0xFFFFE000  }
0xa2: {  	_ =	swait.ge [sflag:s20], $0x2000  }
0xa3: {  	[sflag:s20] =	ssyncset.done $0x0  }
0xa4: {  	[sflag:s20] =	ssyncadd.s32 $0xFFFFE000  }
0xa5: {  	_ =	swait.ge [sflag:s20], $0x2000  }
0xa6: {  	[sflag:s20] =	ssyncset.done $0x0  }
0xa7: {  	[sflag:s20] =	ssyncadd.s32 $0xFFFFE000  }
0xa8: {  	_ =	swait.ge [sflag:s20], $0x2000  }
0xa9: {  	[sflag:s20] =	ssyncset.done $0x0  }
0xaa: {  	[sflag:s20] =	ssyncadd.s32 $0xFFFFE000  }
0xab: {  	_ =	swait.ge [sflag:s20], $0x2000  }
0xac: {  	[sflag:s20] =	ssyncset.done $0x0  }
0xad: {  	p0 =	sne.s32 s23, $0x180;
	[sflag:s20] =	ssyncadd.s32 $0xFFFFE000  }
.Ltmp0:
0xae: {  	_ =	swait.ge [sflag:s20], $0x2000;
	(pc) =	sbr.rel @p0 .LBB2_2-.Ltmp0, $4  }
0xaf: {  	[sflag:s20] =	ssyncset.done $0x0  }
0xb0: {  	[sflag:s20] =	ssyncadd.s32 $0xFFFFE000  }
0xb1: {  	_ =	swait.ge [sflag:s20], $0x2000  }
0xb2: {  	s23 =	sadd.s32 $0x10, s23;
	s25 =	rddreg [dreg:$0x4];
	[sflag:s20] =	ssyncset.done $0x0  }
0xb3: {  	s23 =	sadd.s32 $0x80, s24  }
0xb4: {  	[sflag:s20] =	ssyncadd.s32 $0xFFFFE000;
	s24 =	sadd.s32 s23, s25  }
0xb5: {  	[tilespmem:s3], [sflag:$0x3] =	stream.linear.gather [hbm4b:s24+s3], $0x400, $0x38;
	[tilespmem:$0x10400] =	vst v63  }
0xb6: {  	_ =	swait.ge [sflag:s7], $0x400  }
0xb7: {  	[sflag:s7] =	ssyncset.done $0x0  }
0xb8: {  	[sflag:s7] =	ssyncadd.s32 $0xFFFFFC00  }
0xb9: {  	[tilespmem:s9], [sflag:$0x1] =	stream.indirect.gather [hbm4b:s4+s8], $0x40, s3, s8, $0xb8;
	[tilespmem:$0x10400] =	vst v63  }
0xba: {  	_ = 	snop  }
0xbb: {  	[tilespmem:s10], [sflag:$0x1] =	stream.indirect.gather [hbm4b:s4+s8], $0x40, s8, s8, $0xb8;
	[tilespmem:$0x10400] =	vst v63  }
0xbc: {  	s30 =	rddreg [dreg:$0x6]  }
0xbd: {  	[tilespmem:s11], [sflag:$0x1] =	stream.indirect.gather [hbm4b:s4+s8], $0x40, s30, s8, $0xb8;
	[tilespmem:$0x10400] =	vst v63  }
0xbe: {  	s31 =	rddreg [dreg:$0x7]  }
0xbf: {  	[tilespmem:s12], [sflag:$0x1] =	stream.indirect.gather [hbm4b:s4+s8], $0x40, s31, s8, $0xb8;
	[tilespmem:$0x10400] =	vst v63  }
0xc0: {  	s26 =	rddreg [dreg:$0x8]  }
0xc1: {  	[tilespmem:s13], [sflag:$0x1] =	stream.indirect.gather [hbm4b:s4+s8], $0x40, s26, s8, $0xb8;
	[tilespmem:$0x10400] =	vst v63  }
0xc2: {  	s28 =	rddreg [dreg:$0x9]  }
0xc3: {  	[tilespmem:s14], [sflag:$0x1] =	stream.indirect.gather [hbm4b:s4+s8], $0x40, s28, s8, $0xb8;
	[tilespmem:$0x10400] =	vst v63  }
0xc4: {  	s29 =	rddreg [dreg:$0xa]  }
0xc5: {  	[tilespmem:s15], [sflag:$0x1] =	stream.indirect.gather [hbm4b:s4+s8], $0x40, s29, s8, $0xb8;
	[tilespmem:$0x10400] =	vst v63  }
0xc6: {  	s30 =	rddreg [dreg:$0xb]  }
0xc7: {  	[tilespmem:s16], [sflag:$0x1] =	stream.indirect.gather [hbm4b:s4+s8], $0x40, s30, s8, $0xb8;
	[tilespmem:$0x10400] =	vst v63  }
0xc8: {  	_ =	swait.ge [sflag:s17], $0x2000  }
0xc9: {  	s23 =	sand.u32 $0xF80, s23;
	s31 =	rddreg [dreg:$0x5]  }
0xca: {  	s23 =	smul.u32 $0x3200, s23;
	s22 =	sadd.s32 s22, s31  }
0xcb: {  	s22 =	sand.u32 $0x7FFFFE00, s22  }
0xcc: {  	s22 =	sadd.s32 s22, s23  }
0xcd: {  	[sflag:s17] =	ssyncset.done $0x0;
	s23 =	sshrl.u32 s22, $0x3  }
0xce: {  	[sflag:s17] =	ssyncadd.s32 $0xFFFFE000;
	s23 =	sadd.s32 s2, s23  }
0xcf: {  	[hbm4b:s23+s18] =	stream.strided.scatter [tilespmem:s9], [sflag:$0x2], $0x2000, s19, s18, $0x38;
	[tilespmem:$0x10400] =	vst v63  }
0xd0: {  	s25 =	sor.u32 $0x40, s22;
	_ =	swait.ge [sflag:s17], $0x2000  }
0xd1: {  	s23 =	sshrl.u32 s25, $0x3;
	[sflag:s17] =	ssyncset.done $0x0  }
0xd2: {  	s23 =	sadd.s32 s2, s23;
	[sflag:s17] =	ssyncadd.s32 $0xFFFFE000  }
0xd3: {  	[hbm4b:s23+s18] =	stream.strided.scatter [tilespmem:s10], [sflag:$0x2], $0x2000, s19, s18, $0x38;
	[tilespmem:$0x10400] =	vst v63  }
0xd4: {  	s26 =	sor.u32 $0x80, s22;
	_ =	swait.ge [sflag:s17], $0x2000  }
0xd5: {  	s23 =	sshrl.u32 s26, $0x3;
	[sflag:s17] =	ssyncset.done $0x0  }
0xd6: {  	s23 =	sadd.s32 s2, s23;
	[sflag:s17] =	ssyncadd.s32 $0xFFFFE000  }
0xd7: {  	[hbm4b:s23+s18] =	stream.strided.scatter [tilespmem:s11], [sflag:$0x2], $0x2000, s19, s18, $0x38;
	[tilespmem:$0x10400] =	vst v63  }
0xd8: {  	s28 =	sor.u32 $0xC0, s22;
	_ =	swait.ge [sflag:s17], $0x2000  }
0xd9: {  	s23 =	sshrl.u32 s28, $0x3;
	[sflag:s17] =	ssyncset.done $0x0  }
0xda: {  	s23 =	sadd.s32 s2, s23;
	[sflag:s17] =	ssyncadd.s32 $0xFFFFE000  }
0xdb: {  	[hbm4b:s23+s18] =	stream.strided.scatter [tilespmem:s12], [sflag:$0x2], $0x2000, s19, s18, $0x38;
	[tilespmem:$0x10400] =	vst v63  }
0xdc: {  	s29 =	sor.u32 $0x100, s22;
	_ =	swait.ge [sflag:s17], $0x2000  }
0xdd: {  	s23 =	sshrl.u32 s29, $0x3;
	[sflag:s17] =	ssyncset.done $0x0  }
0xde: {  	s23 =	sadd.s32 s2, s23;
	[sflag:s17] =	ssyncadd.s32 $0xFFFFE000  }
0xdf: {  	[hbm4b:s23+s18] =	stream.strided.scatter [tilespmem:s13], [sflag:$0x2], $0x2000, s19, s18, $0x38;
	[tilespmem:$0x10400] =	vst v63  }
0xe0: {  	s30 =	sor.u32 $0x140, s22;
	_ =	swait.ge [sflag:s17], $0x2000  }
0xe1: {  	s23 =	sshrl.u32 s30, $0x3;
	[sflag:s17] =	ssyncset.done $0x0  }
0xe2: {  	s23 =	sadd.s32 s2, s23;
	[sflag:s17] =	ssyncadd.s32 $0xFFFFE000  }
0xe3: {  	[hbm4b:s23+s18] =	stream.strided.scatter [tilespmem:s14], [sflag:$0x2], $0x2000, s19, s18, $0x38;
	[tilespmem:$0x10400] =	vst v63  }
0xe4: {  	s31 =	sor.u32 $0x180, s22;
	_ =	swait.ge [sflag:s17], $0x2000  }
0xe5: {  	s23 =	sshrl.u32 s31, $0x3;
	[sflag:s17] =	ssyncset.done $0x0  }
0xe6: {  	s23 =	sadd.s32 s2, s23;
	[sflag:s17] =	ssyncadd.s32 $0xFFFFE000  }
0xe7: {  	[hbm4b:s23+s18] =	stream.strided.scatter [tilespmem:s15], [sflag:$0x2], $0x2000, s19, s18, $0x38;
	[tilespmem:$0x10400] =	vst v63  }
0xe8: {  	s22 =	sor.u32 $0x1C0, s22;
	_ =	swait.ge [sflag:s17], $0x2000  }
0xe9: {  	s22 =	sshrl.u32 s22, $0x3;
	[sflag:s17] =	ssyncset.done $0x0  }
0xea: {  	s22 =	sadd.s32 s2, s22;
	[sflag:s17] =	ssyncadd.s32 $0xFFFFE000  }
0xeb: {  	[hbm4b:s22+s18] =	stream.strided.scatter [tilespmem:s16], [sflag:$0x2], $0x2000, s19, s18, $0x38;
	[tilespmem:$0x10400] =	vst v63  }
0xec: {  	_ =	swait.ge [sflag:s20], $0x2000  }
0xed: {  	[sflag:s20] =	ssyncset.done $0x0  }
0xee: {  	[sflag:s20] =	ssyncadd.s32 $0xFFFFE000  }
0xef: {  	_ =	swait.ge [sflag:s20], $0x2000  }
0xf0: {  	[sflag:s20] =	ssyncset.done $0x0  }
0xf1: {  	[sflag:s20] =	ssyncadd.s32 $0xFFFFE000  }
0xf2: {  	_ =	swait.ge [sflag:s20], $0x2000  }
0xf3: {  	[sflag:s20] =	ssyncset.done $0x0  }
0xf4: {  	[sflag:s20] =	ssyncadd.s32 $0xFFFFE000  }
0xf5: {  	_ =	swait.ge [sflag:s20], $0x2000  }
0xf6: {  	[sflag:s20] =	ssyncset.done $0x0  }
0xf7: {  	[sflag:s20] =	ssyncadd.s32 $0xFFFFE000  }
0xf8: {  	_ =	swait.ge [sflag:s20], $0x2000  }
0xf9: {  	[sflag:s20] =	ssyncset.done $0x0  }
0xfa: {  	[sflag:s20] =	ssyncadd.s32 $0xFFFFE000  }
0xfb: {  	_ =	swait.ge [sflag:s20], $0x2000  }
0xfc: {  	[sflag:s20] =	ssyncset.done $0x0  }
0xfd: {  	s21 =	sadd.s32 $0x1, s21;
	[sflag:s20] =	ssyncadd.s32 $0xFFFFE000  }
0xfe: {  	p0 =	sne.s32 s21, s5;
	_ =	swait.ge [sflag:s20], $0x2000  }
.Ltmp1:
0xff: {  	[sflag:s20] =	ssyncset.done $0x0;
	(pc) =	sbr.rel @p0 .LBB2_1-.Ltmp1, $4  }
0x100: {  	[sflag:s20] =	ssyncadd.s32 $0xFFFFE000  }
0x101: {  	_ =	swait.ge [sflag:s20], $0x2000  }
0x102: {  	[sflag:s20] =	ssyncset.done $0x0  }
0x103: {  	[sflag:s20] =	ssyncadd.s32 $0xFFFFE000  }
0x104: {  	_ =	sfence.sel $0x180000  }
0x105: {  	[bflag:$0x0] =	sbarrier.arrive $0xFFFF  }
0x106: {  	p0 =	sne.s32 s0, $0x0;
	_ =	strace $0x90000047  }
0x107: {  	s0 =	sadd.s32 @!p0 $0x100000, s1;
	[bflag:$0x2] =	sbarrier.arrive $0xFFFF  }
0x108: {  	[sflag:s0] =	ssyncadd.tile.s32 @!p0 $0x1;
	_ =	shalt  }
.Lfunc_end2:
_tile_overlayer_lowered:
.L_overlay_start_2:
0x109: {  	(tag) =	ssettag $0x2  }
0x10a: {  	s0 =	rddreg [dreg:$0x0];
	s2 =	stileid.u32  }
0x10b: {  	s1 =	rddreg [dreg:$0x1];
	p0 =	sne.s32 s2, $0x0  }
0x10c: {  	s3 =	rddreg [dreg:$0x2];
	[bflag:$0x3] =	sbarrier.arrive $0xFFFF;
	s2 =	simm.s32 @!p0 $0x1C03  }
0x10d: {  	[timem:s3], [sflag:s2] =	dma.local @!p0 [hbm:s0], s1  }
0x10e: {  	s0 =	simm.s32 @!p0 $0x3  }
0x10f: {  	_ =	swait.ge @!p0 [sflag:s0], s1  }
0x110: {  	s1 =	ssub.s32 @!p0 $0x0, s1;
	[sflag:s0] =	ssyncset.done @!p0 $0x0  }
0x111: {  	[sflag:s0] =	ssyncadd.s32 @!p0 s1  }
0x112: {  	[bflag:$0x3] =	sbarrier.arrive $0xFFFF  }
0x113: {  	_ =	shalt  }

// kernel: sparse-core-data-format-call.cloned.1.call-start
scs
called_computation_lowered:
.L_overlay_start_0:
0x0: {  	s2 =	sld [smem:$0x3FD9]  }
0x1: {  	s3 =	sld [smem:$0x3FFE];
	_ =	sdelay $0x1  }
0x2: {  	s1 =	srdreg.scid  }
0x3: {  	s0 =	sand.u32 $0x1, s1  }
0x4: {  	s18 =	sshll.u32 s0, $0xA;
	s2 =	sadd.s32 s3, s2  }
0x5: {  	s2 =	sadd.s32 s2, s18  }
0x6: {  	[smem:$0x3FC6] =	sst s2  }
0x7: {  	_ = 	snop  }
0x8: {  	s2 =	sld [smem:$0x3FD0];
	(tm) =	ssettm $0x1  }
0x9: {  	s19 =	sld [smem:$0x3FFB];
	_ =	sdelay $0x3  }
0xa: {  	_ =	strace s19  }
0xb: {  	s3 =	sld [smem:$0x3FFC];
	_ =	sdelay $0x3  }
0xc: {  	_ =	strace s3  }
0xd: {  	s3 =	sld [smem:$0x3FFD];
	_ =	sdelay $0x3  }
0xe: {  	_ =	strace s3  }
0xf: {  	_ =	strace $0x8FFFFFFF  }
0x10: {  	s20 =	sld [smem:$0x3FDB];
	_ =	sdelay $0x1  }
0x11: {  	s4 =	simm.s32 $_scs_section_size  }
0x12: {  	s5 =	simm.s32 $_size__tile_overlayer_lowered;
	s6 =	simm.s32 $_tile_overlayer_lowered  }
0x13: {  	s23 =	simm.s32 $0x1BFF;
	s22 =	sshll.u32 s6, $0x1;
	s3 =	sadd.s32 s4, s20  }
0x14: {  	s7 =	simm.s32 $0x0;
	s21 =	sshll.u32 s5, $0x1;
	s5 =	sadd.s32 s22, s3  }
0x15: {  	[timem:s7], [sflag:s23] =	dma.local [hbm:s5], s21  }
0x16: {  	_ =	swait.ge [sflag:s23], s21  }
0x17: {  	s4 =	ssub.s32 $0x0, s21;
	[sflag:s23] =	ssyncset.done $0x0  }
0x18: {  	[sflag:s23] =	ssyncadd.s32 s4;
	_ =	sdelay $0x1  }
0x19: {  	s24 =	simm.s32 $0x1B8B  }
0x1a: {  	_ =	swait.ge [sflag:s24], $0x1  }
0x1b: {  	[sflag:s24] =	ssyncset.done $0x0  }
0x1c: {  	s26 =	simm.s32 $0x1B8E;
	s25 =	sld [smem:$0x3FFE];
	[sflag:s24] =	ssyncadd.s32 $0xFFFFFFFF  }
0x1d: {  	s27 =	simm.s32 $execute0_lowered;
	[smem:$0x3FD2] =	sst s26  }
0x1e: {  	s5 =	sshll.u32 s27, $0x1;
	_ =	strace $0x80000049;
	[dreg:$0x1] =	wrdreg $0xFFFFFFFF  }
0x1f: {  	s28 =	simm.s32 $_size_execute0_lowered;
	s3 =	sadd.s32 s3, s5;
	[dreg:$0x0] =	wrdreg $0x0  }
0x20: {  	s5 =	sshll.u32 s28, $0x1;
	[dreg:$0x2] =	wrdreg s3  }
0x21: {  	[dreg:$0x3] =	wrdreg s5  }
0x22: {  	[dreg:$0x4] =	wrdreg $0xC0  }
0x23: {  	_ =	task [dreg:s7], $0x5FFFF  }
0x24: {  	[dreg:$0x1] =	wrdreg $0xFFFFFFFF  }
0x25: {  	[dreg:$0x0] =	wrdreg $0x60  }
0x26: {  	[dreg:$0x2] =	wrdreg s25  }
0x27: {  	[dreg:$0x3] =	wrdreg s2  }
0x28: {  	[dreg:$0x4] =	wrdreg $0x9  }
0x29: {  	_ =	task.clear_ibuf [dreg:s7], $0x5FFFF;
	_ =	strace $0x90000049  }
0x2a: {  	s29 =	simm.s32 $0x9;
	_ =	strace $0x8000004B  }
0x2b: {  	_ =	swait.ge [sflag:s29], $0x1  }
0x2c: {  	[sflag:s29] =	ssyncadd.s32 $0xFFFFFFFF  }
0x2d: {  	_ =	strace $0x9000004B  }
0x2e: {  	_ =	sfence  }
0x2f: {  	s30 =	sld [smem:$0x0];
	_ =	sdelay $0x2  }
0x30: {  	s31 =	sshll.u32 s1, $0xD;
	s1 =	sshrl.u32 s1, $0x2  }
0x31: {  	s3 =	sand.u32 $0x4000, s31;
	s1 =	sadd.s32 s1, s30  }
0x32: {  	s0 =	sor.u32 s3, s0;
	s1 =	sshll.u32 s1, $0x11  }
0x33: {  	s0 =	sor.u32 s1, s0  }
0x34: {  	s0 =	sadd.s32 $0x8F2B, s0  }
0x35: {  	[sflag:s0] =	ssyncadd.remote.s32 $0x1  }
0x36: {  	_ =	sfence.sel $0xFFFF  }
0x37: {  	[dreg:$0x0] =	wrdreg $0xFFFFFFFF;
	(pc) =	sbr.abs _section_cstart, $3  }
0x38: {  	[dreg:$0x1] =	wrdreg $0xFFFFFFFF  }
0x39: {  	_ =	task.clear_ibuf [dreg:s7], $0x2FFFF;
	_ =	strace $0x9FFFFFFF  }
0x3a: {  	(tm) =	ssettm $0x7FFFFFFF  }
0x3b: {  	_ =	shalt  }
tec
execute0_lowered:
.L_overlay_start_1:
0x0: {  	(tag) =	ssettag $0x1  }
0x1: {  	s0 =	srdreg.scid  }
0x2: {  	s1 =	sshll.u32 s0, $0x4  }
0x3: {  	s0 =	stileid.u32;
	s1 =	sand.u32 $0x10, s1  }
0x4: {  	s1 =	sor.u32 s0, s1  }
0x5: {  	s6 =	rddreg [dreg:$0x0];
	s4 =	simm.s32 $0x1;
	s2 =	sshll.u32 s1, $0x7  }
0x6: {  	s7 =	simm.s32 $0x2;
	s12 =	simm.s32 $0x0;
	s1 =	ssub.s32 $0x1000, s2  }
0x7: {  	s8 =	simm.s32 $0x8000;
	s13 =	simm.s32 $0x0;
	s3 =	sand.u32 $0xF80, s1  }
0x8: {  	s9 =	simm.s32 $0x0;
	s5 =	sshrl.u32 s1, $0xC;
	p0 =	sne.s32 s3, $0x0  }
.Ltmp0:
0x9: {  	s1 =	rddreg [dreg:$0x2];
	s4 =	simm.s32 @!p0 $0x0;
	(pc) =	sbr.rel .LBB1_1-.Ltmp0, $4  }
0xa: {  	s11 =	simm.s32 $0x0;
	s3 =	rddreg [dreg:$0x1];
	s5 =	sadd.s32 s4, s5  }
0xb: {  	_ =	strace $0x8000004A;
	s4 =	simm.s32 $0x1;
	s5 =	smul.u32 $0xC8, s5  }
0xc: {  	s6 =	sadd.s32 $0x800, s6;
	s10 =	smov.u32 s2;
	[sflag:s4] =	ssyncpa.u1 $0x0  }
0xd: {  	p0 =	por $0x0, $0x0;
	[sflag:s7] =	ssyncpa.u1 $0x0;
	s7 =	sor.u32 $0x1, s5  }
.LBB1_4:
0xe: {  	s16 =	sshll.u32 s13, $0x3;
	s17 =	sand.u32 $0x78, s13  }
0xf: {  	s30 =	sand.u32 $0x7E00, s13;
	s12 =	sshll.u32 s12, $0xF;
	s16 =	sand.u32 $0xC00, s16  }
0x10: {  	[tilespmem:s15+$0x810 ss:$0x81] =	vst.msk $0xffff, v2;
	s31 =	sand.u32 $0x7, s13;
	s16 =	sor.u32 s17, s16;
	s17 =	sadd.s32 s3, s30  }
0x11: {  	[tilespmem:s15+$0x1020 ss:$0x81] =	vst.msk $0xffff, v0;
	s13 =	sshll.u32 s31, $0x12;
	s12 =	sadd.s32 s12, s17;
	s16 =	sshrl.u32 s16, $0x3  }
0x12: {  	[tilespmem:s15+$0x0 ss:$0x81] =	vst.msk $0xffff, v1;
	s13 =	sor.u32 $0x400, s13;
	s12 =	sadd.s32 s16, s12  }
0x13: {  	[hbm4b:s12+s13] =	stream.strided.scatter [tilespmem:s14], [sflag:$0x2], $0x2000, s8, s13, $0x20;
	[tilespmem:$0x8080] =	vst v63  }
.LBB1_5:
0x14: {  	s14 =	sadd.s32 $0x1, s9  }
0x15: {  	s12 =	sadd.s32 $0x1000, s10;
	s16 =	smov.u32 s10;
	p2 =	sgt.s32 s14, $0xC7  }
0x16: {  	s16 =	smov.u32 @p2 s12  }
0x17: {  	s14 =	simm.s32 @p2 $0x0;
	p2 =	sgt.s32 s16, $0xFFF  }
0x18: {  	s16 =	smov.u32 @p2 s2;
	p2 =	sne.s32 s11, s7  }
.Ltmp1:
0x19: {  	p1 =	slt.u32 s11, $0x2;
	(pc) =	sbr.rel @!p2 .LBB1_6-.Ltmp1, $4  }
0x1a: {  	s15 =	simm.s32 @!p1 $0x2  }
0x1b: {  	s13 =	smov.u32 s10;
	p0 =	por !p0, !p0;
	_ =	swait.ge @!p1 [sflag:s15], $0x2000  }
0x1c: {  	s12 =	smov.u32 s9;
	[sflag:s15] =	ssyncset.done @!p1 $0x0;
	s9 =	smov.u32 s14  }
0x1d: {  	s11 =	sadd.s32 $0x1, s11;
	[sflag:s15] =	ssyncadd.s32 @!p1 $0xFFFFE000;
	s10 =	smov.u32 s16  }
.LBB1_1:
0x1e: {  	p1 =	sge.u32 s11, s5  }
0x1f: {  	s14 =	sand.u32 @!p1 $0x1FFFFFF, s9  }
0x20: {  	s15 =	smulhi.u32 @!p1 $0x147AE15, s14;
	_ =	sdelay $0x1  }
0x21: {  	s15 =	smul.u32 @!p1 $0xC8, s15  }
0x22: {  	s16 =	sxor.u32 @!p1 $0xFFFFFFFF, s11;
	s17 =	smul.u32 @!p1 $0xC80, s10  }
0x23: {  	s31 =	sadd.s32 $0xFFFFFFFF, s11;
	s16 =	sshll.u32 @!p1 s16, $0xD;
	s14 =	ssub.s32 @!p1 s14, s15  }
0x24: {  	s15 =	sand.u32 @!p1 $0x2000, s16;
	s16 =	sadd.s32 @!p1 s6, s17;
	s14 =	sshll.u32 @!p1 s14, $0x4  }
0x25: {  	s17 =	simm.s32 @!p1 $0x6400;
	s14 =	sadd.s32 @!p1 s14, s16;
	s16 =	simm.s32 @!p1 $0x40  }
0x26: {  	[tilespmem:s15], [sflag:$0x1] =	stream.strided.gather @!p1 [hbm4b:s14+s16], $0x2000, s17, s16, $0x38;
	[tilespmem:$0x8080] =	vst v63  }
0x27: {  	p1 =	sge.u32 s31, s5  }
.Ltmp2:
0x28: {  	_ = 	snop;
	(pc) =	sbr.rel @p1 .LBB1_5-.Ltmp2, $1  }
0x29: {  	_ =	sdelay $0x3  }
0x2a: {  	s14 =	simm.s32 $0x1  }
0x2b: {  	_ =	swait.ge [sflag:s4], $0x2000;
	s14 =	simm.s32 @!p0 $0x0  }
0x2c: {  	[sflag:s4] =	ssyncset.done $0x0;
	s15 =	sshll.u32 s14, $0xD  }
0x2d: {  	[sflag:s4] =	ssyncadd.s32 $0xFFFFE000;
	s18 =	sor.u32 $0x20, s15  }
0x2e: {  	s14 =	smul.u32 $0x8100, s14;
	v3 =	vld [tilespmem:s18+$0x10]  }
0x2f: {  	s30 =	sand.u32 $0x1, s11;
	v2 =	vld [tilespmem:s18+$0xFFFFFFF0]  }
0x30: {  	s15 =	smul.u32 $0x8100, s30;
	s14 =	sshrl.u32 s14, $0x2;
	v0 =	vld [tilespmem:s18+$0x0]  }
0x31: {  	v1 =	vld [tilespmem:s18+$0xFFFFFFE0];
	s16 =	sor.u32 $0x4000, s14  }
0x32: {  	s31 =	sshrl.u32 s15, $0x2;
	s15 =	sadd.s32 $0x0, s16  }
0x33: {  	s17 =	simm.s32 $0x4;
	s18 =	sadd.s32 $0x40, s18;
	s14 =	sor.u32 $0x4000, s31;
	[tilespmem:s15+$0x1830 ss:$0x81] =	vst.msk $0xffff, v3  }
.LBB1_3:
0x34: {  	v3 =	vld [tilespmem:s18+$0x10];
	p1 =	sne.s32 s17, $0x1FC;
	[tilespmem:s15+$0x810 ss:$0x81] =	vst.msk $0xffff, v2;
	s19 =	smov.u32 s17;
	s17 =	sadd.s32 $0x4, s17  }
.Ltmp3:
0x35: {  	v2 =	vld [tilespmem:s18+$0xFFFFFFF0];
	[tilespmem:s15+$0x1020 ss:$0x81] =	vst.msk $0xffff, v0;
	(pc) =	sbr.rel @p1 .LBB1_3-.Ltmp3, $4  }
0x36: {  	v0 =	vld [tilespmem:s18+$0x0];
	[tilespmem:s15+$0x0 ss:$0x81] =	vst.msk $0xffff, v1  }
0x37: {  	s15 =	sshra.s32 s19, $0x2;
	v1 =	vld [tilespmem:s18+$0xFFFFFFE0]  }
0x38: {  	s15 =	sadd.s32 s15, s16  }
0x39: {  	s18 =	sadd.s32 $0x40, s18;
	[tilespmem:s15+$0x1830 ss:$0x81] =	vst.msk $0xffff, v3  }
.Ltmp4:
0x3a: {  	_ = 	snop;
	(pc) =	sbr.rel .LBB1_4-.Ltmp4, $1  }
0x3b: {  	_ =	sdelay $0x3  }
.LBB1_6:
0x3c: {  	_ =	sfence.sel $0x180000  }
0x3d: {  	s2 =	simm.s32 $0x1;
	[bflag:$0x0] =	sbarrier.arrive $0xFFFF  }
0x3e: {  	s31 =	simm.s32 $0x2;
	[sflag:s2] =	ssyncpa.u1 $0x1  }
0x3f: {  	[sflag:s31] =	ssyncpa.u1 $0x1  }
0x40: {  	p0 =	sne.s32 s0, $0x0;
	_ =	strace $0x9000004A  }
0x41: {  	s0 =	sadd.s32 @!p0 $0x100000, s1;
	[bflag:$0x2] =	sbarrier.arrive $0xFFFF  }
0x42: {  	[sflag:s0] =	ssyncadd.tile.s32 @!p0 $0x1;
	_ =	shalt  }
.Lfunc_end1:
_tile_overlayer_lowered:
.L_overlay_start_2:
0x43: {  	(tag) =	ssettag $0x2  }
0x44: {  	s0 =	rddreg [dreg:$0x0];
	s2 =	stileid.u32  }
0x45: {  	s1 =	rddreg [dreg:$0x1];
	p0 =	sne.s32 s2, $0x0  }
0x46: {  	s3 =	rddreg [dreg:$0x2];
	[bflag:$0x3] =	sbarrier.arrive $0xFFFF;
	s2 =	simm.s32 @!p0 $0x1C01  }
0x47: {  	[timem:s3], [sflag:s2] =	dma.local @!p0 [hbm:s0], s1  }
0x48: {  	s0 =	simm.s32 @!p0 $0x1  }
0x49: {  	_ =	swait.ge @!p0 [sflag:s0], s1  }
0x4a: {  	s1 =	ssub.s32 @!p0 $0x0, s1;
	[sflag:s0] =	ssyncset.done @!p0 $0x0  }
0x4b: {  	[sflag:s0] =	ssyncadd.s32 @!p0 s1  }
0x4c: {  	[bflag:$0x3] =	sbarrier.arrive $0xFFFF  }
0x4d: {  	_ =	shalt  }

</sc_bundles>
